<compile_context>
chip_gen: v7x
topology: tpu7x:2x2x1
jax: 0.10.2.dev20260603
libtpu: 0.0.44.dev20260713+nightly
codegen_flags: <defaults>
</compile_context>

<pallas_src>
import functools

import jax
import jax.numpy as jnp
from jax import lax
from jax.experimental import pallas as pl
from jax.experimental.pallas import tpu as pltpu
from jax.experimental.pallas import tpu_sc as plsc

VOCAB = 30523
D = 768
NB = 4096
T = 50
TP = 56
NC = 2
NS = 16
NW = NC * NS
BPW = NB // NW
NBUF = 2

_mesh = plsc.VectorSubcoreMesh(core_axis_name="c", subcore_axis_name="s")


@functools.partial(
    pl.kernel,
    mesh=_mesh,
    out_type=jax.ShapeDtypeStruct((NB, TP, D), jnp.float32),
    scratch_types=[
        pltpu.VMEM((BPW * TP,), jnp.int32),
        pltpu.VMEM((NBUF, TP, D), jnp.float32),
        pltpu.SemaphoreType.DMA,
        pltpu.SemaphoreType.DMA,
        pltpu.SemaphoreType.DMA,
        pltpu.SemaphoreType.DMA,
    ],
)
def _emb_lookup(x_hbm, table_hbm, out_hbm, idx_v, rows_v, g0, g1, s0, s1):
    gsem = (g0, g1)
    ssem = (s0, s1)
    wid = lax.axis_index("s") * NC + lax.axis_index("c")
    base = wid * BPW
    pltpu.sync_copy(x_hbm.at[pl.ds(base * TP, BPW * TP)], idx_v)

    def gather_desc(bl, b):
        return pltpu.make_async_copy(
            table_hbm.at[idx_v.at[pl.ds(bl * TP, TP)]], rows_v.at[b], gsem[b]
        )

    def scatter_desc(bl, b):
        return pltpu.make_async_copy(
            rows_v.at[b], out_hbm.at[base + bl], ssem[b]
        )

    for b in range(NBUF):
        gather_desc(b, b).start()

    def body(i, carry):
        bl2 = i * NBUF
        for b in range(NBUF):
            bl = bl2 + b
            gather_desc(bl, b).wait()
            scatter_desc(bl, b).start()

            @pl.when(bl + NBUF < BPW)
            def _():
                scatter_desc(bl, b).wait()
                gather_desc(bl + NBUF, b).start()

        return carry

    lax.fori_loop(0, BPW // NBUF, body, 0, unroll=False)

    for b in range(NBUF):
        scatter_desc(BPW - NBUF + b, b).wait()


def kernel(x, emb_weight):
    b_iota = jax.lax.broadcasted_iota(jnp.int32, (NB, TP - T), 0)
    t_iota = jax.lax.broadcasted_iota(jnp.int32, (NB, TP - T), 1)
    pad_idx = (b_iota * (TP - T) + t_iota) % VOCAB
    xp = jnp.concatenate([x.astype(jnp.int32), pad_idx], axis=1)
    return _emb_lookup(xp.reshape(NB * TP), emb_weight)[:, :T, :]

# --- scband reference (transcript-rebuilt; emitter-appended) ---
"""Pipeline reference for scband-bertword-embedding-55989193671100 (READ-ONLY COPY).

The authoritative reference and input builder live on the scoring server;
editing this copy changes nothing except your own understanding.
"""

import jax, jax.numpy as jnp
import numpy as np

VOCAB_PLUS_ONE = 30523  # bert-base-uncased vocab 30522 + 1
EMB_DIM = 768
PAD_IDX = 0  # [PAD] token id for bert-base-uncased


def setup_inputs(seed: int = 0) -> dict:
    key = jax.random.key(seed)
    k1, k2 = jax.random.split(key)
    x = jax.random.randint(k1, (4096, 50), 0, VOCAB_PLUS_ONE, dtype=jnp.int64) if jax.config.jax_enable_x64 else jax.random.randint(k1, (4096, 50), 0, VOCAB_PLUS_ONE, dtype=jnp.int32)
    emb_weight = jax.random.normal(k2, (VOCAB_PLUS_ONE, EMB_DIM), dtype=jnp.float32) * 0.02
    # padding_idx row is zeroed, as nn.Embedding(padding_idx=...) does at init
    emb_weight = emb_weight.at[PAD_IDX].set(0.0)
    return {"x": x, "emb_weight": emb_weight}


def reference(x, emb_weight):
    # BERTWordEmbedding.forward: emb = self.emb(x); return emb
    # (dropout is defined but not applied in forward)
    emb = jnp.take(emb_weight, x, axis=0)
    return emb

if __name__ == "__main__":
    import jax
    _d = setup_inputs()
    print(jax.jit(kernel)(*tuple(_d.values())))

</pallas_src>

<mosaic_0001>
#map = affine_map<(d0, d1) -> (0)>
#map1 = affine_map<(d0, d1) -> (0, 0)>
#map2 = affine_map<(d0, d1) -> (0, 0, 0)>
module attributes {stable_mosaic.version = 14 : i64} {
  func.func @_emb_lookup(%arg0: i32, %arg1: i32, %arg2: memref<229376xi32, #tpu.memory_space<hbm>>, %arg3: memref<30523x768xf32, #tpu.memory_space<hbm>>, %arg4: memref<4096x56x768xf32, #tpu.memory_space<hbm>>, %arg5: memref<7168xi32, #tpu.memory_space<vmem>>, %arg6: memref<2x56x768xf32, #tpu.memory_space<vmem>>, %arg7: memref<!tpu.dma_semaphore, #tpu.memory_space<semaphore_mem>>, %arg8: memref<!tpu.dma_semaphore, #tpu.memory_space<semaphore_mem>>, %arg9: memref<!tpu.dma_semaphore, #tpu.memory_space<semaphore_mem>>, %arg10: memref<!tpu.dma_semaphore, #tpu.memory_space<semaphore_mem>>) attributes {dimension_semantics = [#tpu.dimension_semantics<core_parallel>, #tpu.dimension_semantics<subcore_parallel>], iteration_bounds = array<i64: 2, 16>, scalar_prefetch = 0 : i64, scratch_operands = 6 : i64, tpu.core_type = #tpu.core_type<sc_vector_subcore>, window_params = [{transform_indices = #map}, {transform_indices = #map1}, {transform_indices = #map2}]} {
    %mul3A = arith.constant 2 : i32
    %mul3A_0 = arith.muli %arg1, %mul3A : i32
    %add3A = arith.addi %mul3A_0, %arg0 : i32
    %mul3A_1 = arith.constant 128 : i32
    %mul3A_2 = arith.muli %add3A, %mul3A_1 : i32
    %mul3A_3 = arith.constant 56 : i32
    %mul3A_4 = arith.muli %mul3A_2, %mul3A_3 : i32
    "tpu.region"() ({
      %run_scoped3A = tpu.sem_alloc : memref<!tpu.dma_semaphore, #tpu.memory_space<semaphore_mem>>
      %dma_start3A_66 = tpu.memref_slice %arg2[%mul3A_4] : memref<229376xi32, #tpu.memory_space<hbm>> -> memref<7168xi32, #tpu.memory_space<hbm>>
      %dma_start3A_67 = tpu.memref_slice %arg2[%mul3A_4] : memref<229376xi32, #tpu.memory_space<hbm>> -> memref<7168xi32, #tpu.memory_space<hbm>>
      tpu.enqueue_dma source(%dma_start3A_67 : memref<7168xi32, #tpu.memory_space<hbm>>) target(%arg5 : memref<7168xi32, #tpu.memory_space<vmem>>) target_semaphore(%run_scoped3A : memref<!tpu.dma_semaphore, #tpu.memory_space<semaphore_mem>>)
      %dma_wait3A_68 = tpu.memref_slice %arg2[%mul3A_4] : memref<229376xi32, #tpu.memory_space<hbm>> -> memref<7168xi32, #tpu.memory_space<hbm>>
      %dma_wait3A_69 = tpu.memref_slice %arg2[%mul3A_4] : memref<229376xi32, #tpu.memory_space<hbm>> -> memref<7168xi32, #tpu.memory_space<hbm>>
      tpu.wait_dma2 semaphore(%run_scoped3A : memref<!tpu.dma_semaphore, #tpu.memory_space<semaphore_mem>>) src(%dma_wait3A_69 : memref<7168xi32, #tpu.memory_space<hbm>>) dst(%arg5 : memref<7168xi32, #tpu.memory_space<vmem>>)
      tpu.yield
    }) : () -> ()
    %dma_start3A = arith.constant 0 : i32
    %dma_start3A_5 = arith.constant 0 : i32
    %dma_start3A_6 = arith.constant 0 : i32
    %dma_start3A_7 = tpu.memref_slice %arg6[%dma_start3A, %dma_start3A_5, %dma_start3A_6] : memref<2x56x768xf32, #tpu.memory_space<vmem>> -> memref<1x56x768xf32, #tpu.memory_space<vmem>>
    %dma_start3A_8 = tpu.memref_squeeze %dma_start3A_7 : memref<1x56x768xf32, #tpu.memory_space<vmem>> -> memref<56x768xf32, #tpu.memory_space<vmem>>
    %dma_start3A_9 = arith.constant 0 : i32
    %dma_start3A_10 = tpu.memref_slice %arg5[%dma_start3A_9] : memref<7168xi32, #tpu.memory_space<vmem>> -> memref<56xi32, #tpu.memory_space<vmem>>
    %dma_start3A_11 = arith.constant 0 : i32
    %dma_start3A_12 = arith.constant 0 : i32
    %dma_start3A_13 = tpu.memref_slice %arg3[%dma_start3A_11, %dma_start3A_12] : memref<30523x768xf32, #tpu.memory_space<hbm>> -> memref<30523x768xf32, #tpu.memory_space<hbm>>
    tpu.enqueue_indirect_dma source(%dma_start3A_13 : memref<30523x768xf32, #tpu.memory_space<hbm>>) target(%dma_start3A_8 : memref<56x768xf32, #tpu.memory_space<vmem>>) offsets(%dma_start3A_10 : memref<56xi32, #tpu.memory_space<vmem>>) semaphore(%arg7 : memref<!tpu.dma_semaphore, #tpu.memory_space<semaphore_mem>>)
    %dma_start3A_14 = arith.constant 1 : i32
    %dma_start3A_15 = arith.constant 0 : i32
    %dma_start3A_16 = arith.constant 0 : i32
    %dma_start3A_17 = tpu.memref_slice %arg6[%dma_start3A_14, %dma_start3A_15, %dma_start3A_16] : memref<2x56x768xf32, #tpu.memory_space<vmem>> -> memref<1x56x768xf32, #tpu.memory_space<vmem>>
    %dma_start3A_18 = tpu.memref_squeeze %dma_start3A_17 : memref<1x56x768xf32, #tpu.memory_space<vmem>> -> memref<56x768xf32, #tpu.memory_space<vmem>>
    %dma_start3A_19 = arith.constant 56 : i32
    %dma_start3A_20 = tpu.memref_slice %arg5[%dma_start3A_19] : memref<7168xi32, #tpu.memory_space<vmem>> -> memref<56xi32, #tpu.memory_space<vmem>>
    %dma_start3A_21 = arith.constant 0 : i32
    %dma_start3A_22 = arith.constant 0 : i32
    %dma_start3A_23 = tpu.memref_slice %arg3[%dma_start3A_21, %dma_start3A_22] : memref<30523x768xf32, #tpu.memory_space<hbm>> -> memref<30523x768xf32, #tpu.memory_space<hbm>>
    tpu.enqueue_indirect_dma source(%dma_start3A_23 : memref<30523x768xf32, #tpu.memory_space<hbm>>) target(%dma_start3A_18 : memref<56x768xf32, #tpu.memory_space<vmem>>) offsets(%dma_start3A_20 : memref<56xi32, #tpu.memory_space<vmem>>) semaphore(%arg8 : memref<!tpu.dma_semaphore, #tpu.memory_space<semaphore_mem>>)
    %scan3A = arith.constant 0 : i32
    %scan3A_24 = arith.constant 0 : i32
    %scan3A_25 = arith.constant 64 : i32
    %scan3A_26 = arith.addi %scan3A_24, %scan3A_25 : i32
    %scan3A_27 = arith.constant 1 : i32
    scf.for %scan3A_66 = %scan3A_24 to %scan3A_26 step %scan3A_27  : i32 {
      %mul3A_67 = arith.constant 2 : i32
      %mul3A_68 = arith.muli %scan3A_66, %mul3A_67 : i32
      %add3A_69 = arith.constant 0 : i32
      %add3A_70 = arith.addi %mul3A_68, %add3A_69 : i32
      %mul3A_71 = arith.constant 56 : i32
      %mul3A_72 = arith.muli %add3A_70, %mul3A_71 : i32
      %dma_wait3A_73 = arith.constant 0 : i32
      %dma_wait3A_74 = arith.constant 0 : i32
      %dma_wait3A_75 = arith.constant 0 : i32
      %dma_wait3A_76 = tpu.memref_slice %arg6[%dma_wait3A_73, %dma_wait3A_74, %dma_wait3A_75] : memref<2x56x768xf32, #tpu.memory_space<vmem>> -> memref<1x56x768xf32, #tpu.memory_space<vmem>>
      %dma_wait3A_77 = tpu.memref_squeeze %dma_wait3A_76 : memref<1x56x768xf32, #tpu.memory_space<vmem>> -> memref<56x768xf32, #tpu.memory_space<vmem>>
      %dma_wait3A_78 = tpu.memref_slice %arg5[%mul3A_72] : memref<7168xi32, #tpu.memory_space<vmem>> -> memref<56xi32, #tpu.memory_space<vmem>>
      %dma_wait3A_79 = arith.constant 0 : i32
      %dma_wait3A_80 = arith.constant 0 : i32
      %dma_wait3A_81 = tpu.memref_slice %arg3[%dma_wait3A_79, %dma_wait3A_80] : memref<30523x768xf32, #tpu.memory_space<hbm>> -> memref<30523x768xf32, #tpu.memory_space<hbm>>
      tpu.wait_indirect_dma semaphore(%arg7 : memref<!tpu.dma_semaphore, #tpu.memory_space<semaphore_mem>>) src(%dma_wait3A_81 : memref<30523x768xf32, #tpu.memory_space<hbm>>) dst(%dma_wait3A_77 : memref<56x768xf32, #tpu.memory_space<vmem>>)
      %add3A_82 = arith.addi %mul3A_2, %add3A_70 : i32
      %dma_start3A_83 = arith.constant 0 : i32
      %dma_start3A_84 = arith.constant 0 : i32
      %dma_start3A_85 = arith.constant 0 : i32
      %dma_start3A_86 = tpu.memref_slice %arg6[%dma_start3A_83, %dma_start3A_84, %dma_start3A_85] : memref<2x56x768xf32, #tpu.memory_space<vmem>> -> memref<1x56x768xf32, #tpu.memory_space<vmem>>
      %dma_start3A_87 = tpu.memref_squeeze %dma_start3A_86 : memref<1x56x768xf32, #tpu.memory_space<vmem>> -> memref<56x768xf32, #tpu.memory_space<vmem>>
      %dma_start3A_88 = arith.constant 0 : i32
      %dma_start3A_89 = arith.constant 0 : i32
      %dma_start3A_90 = tpu.memref_slice %arg4[%add3A_82, %dma_start3A_88, %dma_start3A_89] : memref<4096x56x768xf32, #tpu.memory_space<hbm>> -> memref<1x56x768xf32, #tpu.memory_space<hbm>>
      %dma_start3A_91 = tpu.memref_squeeze %dma_start3A_90 : memref<1x56x768xf32, #tpu.memory_space<hbm>> -> memref<56x768xf32, #tpu.memory_space<hbm>>
      %dma_start3A_92 = arith.constant 0 : i32
      %dma_start3A_93 = arith.constant 0 : i32
      %dma_start3A_94 = tpu.memref_slice %arg4[%add3A_82, %dma_start3A_92, %dma_start3A_93] : memref<4096x56x768xf32, #tpu.memory_space<hbm>> -> memref<1x56x768xf32, #tpu.memory_space<hbm>>
      %dma_start3A_95 = tpu.memref_squeeze %dma_start3A_94 : memref<1x56x768xf32, #tpu.memory_space<hbm>> -> memref<56x768xf32, #tpu.memory_space<hbm>>
      %dma_start3A_96 = arith.constant 0 : i32
      %dma_start3A_97 = arith.constant 0 : i32
      %dma_start3A_98 = tpu.memref_slice %arg6[%dma_start3A_83, %dma_start3A_96, %dma_start3A_97] : memref<2x56x768xf32, #tpu.memory_space<vmem>> -> memref<1x56x768xf32, #tpu.memory_space<vmem>>
      %dma_start3A_99 = tpu.memref_squeeze %dma_start3A_98 : memref<1x56x768xf32, #tpu.memory_space<vmem>> -> memref<56x768xf32, #tpu.memory_space<vmem>>
      tpu.enqueue_dma source(%dma_start3A_99 : memref<56x768xf32, #tpu.memory_space<vmem>>) target(%dma_start3A_95 : memref<56x768xf32, #tpu.memory_space<hbm>>) target_semaphore(%arg9 : memref<!tpu.dma_semaphore, #tpu.memory_space<semaphore_mem>>)
      %add3A_100 = arith.constant 2 : i32
      %add3A_101 = arith.addi %add3A_70, %add3A_100 : i32
      %lt3A = arith.constant 128 : i32
      %lt3A_102 = arith.cmpi slt, %add3A_101, %lt3A : i32
      %convert_element_type3A = arith.extui %lt3A_102 : i1 to i32
      %cond3A = arith.constant 0 : i32
      %cond3A_103 = arith.cmpi ne, %convert_element_type3A, %cond3A : i32
      scf.if %cond3A_103 {
        %add3A_142 = arith.addi %mul3A_2, %add3A_70 : i32
        %dma_wait3A_143 = arith.constant 0 : i32
        %dma_wait3A_144 = arith.constant 0 : i32
        %dma_wait3A_145 = arith.constant 0 : i32
        %dma_wait3A_146 = tpu.memref_slice %arg6[%dma_wait3A_143, %dma_wait3A_144, %dma_wait3A_145] : memref<2x56x768xf32, #tpu.memory_space<vmem>> -> memref<1x56x768xf32, #tpu.memory_space<vmem>>
        %dma_wait3A_147 = tpu.memref_squeeze %dma_wait3A_146 : memref<1x56x768xf32, #tpu.memory_space<vmem>> -> memref<56x768xf32, #tpu.memory_space<vmem>>
        %dma_wait3A_148 = arith.constant 0 : i32
        %dma_wait3A_149 = arith.constant 0 : i32
        %dma_wait3A_150 = tpu.memref_slice %arg4[%add3A_142, %dma_wait3A_148, %dma_wait3A_149] : memref<4096x56x768xf32, #tpu.memory_space<hbm>> -> memref<1x56x768xf32, #tpu.memory_space<hbm>>
        %dma_wait3A_151 = tpu.memref_squeeze %dma_wait3A_150 : memref<1x56x768xf32, #tpu.memory_space<hbm>> -> memref<56x768xf32, #tpu.memory_space<hbm>>
        %dma_wait3A_152 = arith.constant 0 : i32
        %dma_wait3A_153 = arith.constant 0 : i32
        %dma_wait3A_154 = tpu.memref_slice %arg4[%add3A_142, %dma_wait3A_152, %dma_wait3A_153] : memref<4096x56x768xf32, #tpu.memory_space<hbm>> -> memref<1x56x768xf32, #tpu.memory_space<hbm>>
        %dma_wait3A_155 = tpu.memref_squeeze %dma_wait3A_154 : memref<1x56x768xf32, #tpu.memory_space<hbm>> -> memref<56x768xf32, #tpu.memory_space<hbm>>
        %dma_wait3A_156 = arith.constant 0 : i32
        %dma_wait3A_157 = arith.constant 0 : i32
        %dma_wait3A_158 = tpu.memref_slice %arg6[%dma_wait3A_143, %dma_wait3A_156, %dma_wait3A_157] : memref<2x56x768xf32, #tpu.memory_space<vmem>> -> memref<1x56x768xf32, #tpu.memory_space<vmem>>
        %dma_wait3A_159 = tpu.memref_squeeze %dma_wait3A_158 : memref<1x56x768xf32, #tpu.memory_space<vmem>> -> memref<56x768xf32, #tpu.memory_space<vmem>>
        tpu.wait_dma2 semaphore(%arg9 : memref<!tpu.dma_semaphore, #tpu.memory_space<semaphore_mem>>) src(%dma_wait3A_159 : memref<56x768xf32, #tpu.memory_space<vmem>>) dst(%dma_wait3A_155 : memref<56x768xf32, #tpu.memory_space<hbm>>)
        %add3A_160 = arith.constant 2 : i32
        %add3A_161 = arith.addi %add3A_70, %add3A_160 : i32
        %mul3A_162 = arith.constant 56 : i32
        %mul3A_163 = arith.muli %add3A_161, %mul3A_162 : i32
        %dma_start3A_164 = arith.constant 0 : i32
        %dma_start3A_165 = arith.constant 0 : i32
        %dma_start3A_166 = arith.constant 0 : i32
        %dma_start3A_167 = tpu.memref_slice %arg6[%dma_start3A_164, %dma_start3A_165, %dma_start3A_166] : memref<2x56x768xf32, #tpu.memory_space<vmem>> -> memref<1x56x768xf32, #tpu.memory_space<vmem>>
        %dma_start3A_168 = tpu.memref_squeeze %dma_start3A_167 : memref<1x56x768xf32, #tpu.memory_space<vmem>> -> memref<56x768xf32, #tpu.memory_space<vmem>>
        %dma_start3A_169 = tpu.memref_slice %arg5[%mul3A_163] : memref<7168xi32, #tpu.memory_space<vmem>> -> memref<56xi32, #tpu.memory_space<vmem>>
        %dma_start3A_170 = arith.constant 0 : i32
        %dma_start3A_171 = arith.constant 0 : i32
        %dma_start3A_172 = tpu.memref_slice %arg3[%dma_start3A_170, %dma_start3A_171] : memref<30523x768xf32, #tpu.memory_space<hbm>> -> memref<30523x768xf32, #tpu.memory_space<hbm>>
        tpu.enqueue_indirect_dma source(%dma_start3A_172 : memref<30523x768xf32, #tpu.memory_space<hbm>>) target(%dma_start3A_168 : memref<56x768xf32, #tpu.memory_space<vmem>>) offsets(%dma_start3A_169 : memref<56xi32, #tpu.memory_space<vmem>>) semaphore(%arg7 : memref<!tpu.dma_semaphore, #tpu.memory_space<semaphore_mem>>)
      } else {
      }
      %add3A_104 = arith.constant 1 : i32
      %add3A_105 = arith.addi %mul3A_68, %add3A_104 : i32
      %mul3A_106 = arith.constant 56 : i32
      %mul3A_107 = arith.muli %add3A_105, %mul3A_106 : i32
      %dma_wait3A_108 = arith.constant 1 : i32
      %dma_wait3A_109 = arith.constant 0 : i32
      %dma_wait3A_110 = arith.constant 0 : i32
      %dma_wait3A_111 = tpu.memref_slice %arg6[%dma_wait3A_108, %dma_wait3A_109, %dma_wait3A_110] : memref<2x56x768xf32, #tpu.memory_space<vmem>> -> memref<1x56x768xf32, #tpu.memory_space<vmem>>
      %dma_wait3A_112 = tpu.memref_squeeze %dma_wait3A_111 : memref<1x56x768xf32, #tpu.memory_space<vmem>> -> memref<56x768xf32, #tpu.memory_space<vmem>>
      %dma_wait3A_113 = tpu.memref_slice %arg5[%mul3A_107] : memref<7168xi32, #tpu.memory_space<vmem>> -> memref<56xi32, #tpu.memory_space<vmem>>
      %dma_wait3A_114 = arith.constant 0 : i32
      %dma_wait3A_115 = arith.constant 0 : i32
      %dma_wait3A_116 = tpu.memref_slice %arg3[%dma_wait3A_114, %dma_wait3A_115] : memref<30523x768xf32, #tpu.memory_space<hbm>> -> memref<30523x768xf32, #tpu.memory_space<hbm>>
      tpu.wait_indirect_dma semaphore(%arg8 : memref<!tpu.dma_semaphore, #tpu.memory_space<semaphore_mem>>) src(%dma_wait3A_116 : memref<30523x768xf32, #tpu.memory_space<hbm>>) dst(%dma_wait3A_112 : memref<56x768xf32, #tpu.memory_space<vmem>>)
      %add3A_117 = arith.addi %mul3A_2, %add3A_105 : i32
      %dma_start3A_118 = arith.constant 1 : i32
      %dma_start3A_119 = arith.constant 0 : i32
      %dma_start3A_120 = arith.constant 0 : i32
      %dma_start3A_121 = tpu.memref_slice %arg6[%dma_start3A_118, %dma_start3A_119, %dma_start3A_120] : memref<2x56x768xf32, #tpu.memory_space<vmem>> -> memref<1x56x768xf32, #tpu.memory_space<vmem>>
      %dma_start3A_122 = tpu.memref_squeeze %dma_start3A_121 : memref<1x56x768xf32, #tpu.memory_space<vmem>> -> memref<56x768xf32, #tpu.memory_space<vmem>>
      %dma_start3A_123 = arith.constant 0 : i32
      %dma_start3A_124 = arith.constant 0 : i32
      %dma_start3A_125 = tpu.memref_slice %arg4[%add3A_117, %dma_start3A_123, %dma_start3A_124] : memref<4096x56x768xf32, #tpu.memory_space<hbm>> -> memref<1x56x768xf32, #tpu.memory_space<hbm>>
      %dma_start3A_126 = tpu.memref_squeeze %dma_start3A_125 : memref<1x56x768xf32, #tpu.memory_space<hbm>> -> memref<56x768xf32, #tpu.memory_space<hbm>>
      %dma_start3A_127 = arith.constant 0 : i32
      %dma_start3A_128 = arith.constant 0 : i32
      %dma_start3A_129 = tpu.memref_slice %arg4[%add3A_117, %dma_start3A_127, %dma_start3A_128] : memref<4096x56x768xf32, #tpu.memory_space<hbm>> -> memref<1x56x768xf32, #tpu.memory_space<hbm>>
      %dma_start3A_130 = tpu.memref_squeeze %dma_start3A_129 : memref<1x56x768xf32, #tpu.memory_space<hbm>> -> memref<56x768xf32, #tpu.memory_space<hbm>>
      %dma_start3A_131 = arith.constant 0 : i32
      %dma_start3A_132 = arith.constant 0 : i32
      %dma_start3A_133 = tpu.memref_slice %arg6[%dma_start3A_118, %dma_start3A_131, %dma_start3A_132] : memref<2x56x768xf32, #tpu.memory_space<vmem>> -> memref<1x56x768xf32, #tpu.memory_space<vmem>>
      %dma_start3A_134 = tpu.memref_squeeze %dma_start3A_133 : memref<1x56x768xf32, #tpu.memory_space<vmem>> -> memref<56x768xf32, #tpu.memory_space<vmem>>
      tpu.enqueue_dma source(%dma_start3A_134 : memref<56x768xf32, #tpu.memory_space<vmem>>) target(%dma_start3A_130 : memref<56x768xf32, #tpu.memory_space<hbm>>) target_semaphore(%arg10 : memref<!tpu.dma_semaphore, #tpu.memory_space<semaphore_mem>>)
      %add3A_135 = arith.constant 2 : i32
      %add3A_136 = arith.addi %add3A_105, %add3A_135 : i32
      %lt3A_137 = arith.constant 128 : i32
      %lt3A_138 = arith.cmpi slt, %add3A_136, %lt3A_137 : i32
      %convert_element_type3A_139 = arith.extui %lt3A_138 : i1 to i32
      %cond3A_140 = arith.constant 0 : i32
      %cond3A_141 = arith.cmpi ne, %convert_element_type3A_139, %cond3A_140 : i32
      scf.if %cond3A_141 {
        %add3A_142 = arith.addi %mul3A_2, %add3A_105 : i32
        %dma_wait3A_143 = arith.constant 1 : i32
        %dma_wait3A_144 = arith.constant 0 : i32
        %dma_wait3A_145 = arith.constant 0 : i32
        %dma_wait3A_146 = tpu.memref_slice %arg6[%dma_wait3A_143, %dma_wait3A_144, %dma_wait3A_145] : memref<2x56x768xf32, #tpu.memory_space<vmem>> -> memref<1x56x768xf32, #tpu.memory_space<vmem>>
        %dma_wait3A_147 = tpu.memref_squeeze %dma_wait3A_146 : memref<1x56x768xf32, #tpu.memory_space<vmem>> -> memref<56x768xf32, #tpu.memory_space<vmem>>
        %dma_wait3A_148 = arith.constant 0 : i32
        %dma_wait3A_149 = arith.constant 0 : i32
        %dma_wait3A_150 = tpu.memref_slice %arg4[%add3A_142, %dma_wait3A_148, %dma_wait3A_149] : memref<4096x56x768xf32, #tpu.memory_space<hbm>> -> memref<1x56x768xf32, #tpu.memory_space<hbm>>
        %dma_wait3A_151 = tpu.memref_squeeze %dma_wait3A_150 : memref<1x56x768xf32, #tpu.memory_space<hbm>> -> memref<56x768xf32, #tpu.memory_space<hbm>>
        %dma_wait3A_152 = arith.constant 0 : i32
        %dma_wait3A_153 = arith.constant 0 : i32
        %dma_wait3A_154 = tpu.memref_slice %arg4[%add3A_142, %dma_wait3A_152, %dma_wait3A_153] : memref<4096x56x768xf32, #tpu.memory_space<hbm>> -> memref<1x56x768xf32, #tpu.memory_space<hbm>>
        %dma_wait3A_155 = tpu.memref_squeeze %dma_wait3A_154 : memref<1x56x768xf32, #tpu.memory_space<hbm>> -> memref<56x768xf32, #tpu.memory_space<hbm>>
        %dma_wait3A_156 = arith.constant 0 : i32
        %dma_wait3A_157 = arith.constant 0 : i32
        %dma_wait3A_158 = tpu.memref_slice %arg6[%dma_wait3A_143, %dma_wait3A_156, %dma_wait3A_157] : memref<2x56x768xf32, #tpu.memory_space<vmem>> -> memref<1x56x768xf32, #tpu.memory_space<vmem>>
        %dma_wait3A_159 = tpu.memref_squeeze %dma_wait3A_158 : memref<1x56x768xf32, #tpu.memory_space<vmem>> -> memref<56x768xf32, #tpu.memory_space<vmem>>
        tpu.wait_dma2 semaphore(%arg10 : memref<!tpu.dma_semaphore, #tpu.memory_space<semaphore_mem>>) src(%dma_wait3A_159 : memref<56x768xf32, #tpu.memory_space<vmem>>) dst(%dma_wait3A_155 : memref<56x768xf32, #tpu.memory_space<hbm>>)
        %add3A_160 = arith.constant 2 : i32
        %add3A_161 = arith.addi %add3A_105, %add3A_160 : i32
        %mul3A_162 = arith.constant 56 : i32
        %mul3A_163 = arith.muli %add3A_161, %mul3A_162 : i32
        %dma_start3A_164 = arith.constant 1 : i32
        %dma_start3A_165 = arith.constant 0 : i32
        %dma_start3A_166 = arith.constant 0 : i32
        %dma_start3A_167 = tpu.memref_slice %arg6[%dma_start3A_164, %dma_start3A_165, %dma_start3A_166] : memref<2x56x768xf32, #tpu.memory_space<vmem>> -> memref<1x56x768xf32, #tpu.memory_space<vmem>>
        %dma_start3A_168 = tpu.memref_squeeze %dma_start3A_167 : memref<1x56x768xf32, #tpu.memory_space<vmem>> -> memref<56x768xf32, #tpu.memory_space<vmem>>
        %dma_start3A_169 = tpu.memref_slice %arg5[%mul3A_163] : memref<7168xi32, #tpu.memory_space<vmem>> -> memref<56xi32, #tpu.memory_space<vmem>>
        %dma_start3A_170 = arith.constant 0 : i32
        %dma_start3A_171 = arith.constant 0 : i32
        %dma_start3A_172 = tpu.memref_slice %arg3[%dma_start3A_170, %dma_start3A_171] : memref<30523x768xf32, #tpu.memory_space<hbm>> -> memref<30523x768xf32, #tpu.memory_space<hbm>>
        tpu.enqueue_indirect_dma source(%dma_start3A_172 : memref<30523x768xf32, #tpu.memory_space<hbm>>) target(%dma_start3A_168 : memref<56x768xf32, #tpu.memory_space<vmem>>) offsets(%dma_start3A_169 : memref<56xi32, #tpu.memory_space<vmem>>) semaphore(%arg8 : memref<!tpu.dma_semaphore, #tpu.memory_space<semaphore_mem>>)
      } else {
      }
    }
    %scan3A_28 = arith.constant 64 : i32
    %add3A_29 = arith.constant 126 : i32
    %add3A_30 = arith.addi %mul3A_2, %add3A_29 : i32
    %dma_wait3A = arith.constant 0 : i32
    %dma_wait3A_31 = arith.constant 0 : i32
    %dma_wait3A_32 = arith.constant 0 : i32
    %dma_wait3A_33 = tpu.memref_slice %arg6[%dma_wait3A, %dma_wait3A_31, %dma_wait3A_32] : memref<2x56x768xf32, #tpu.memory_space<vmem>> -> memref<1x56x768xf32, #tpu.memory_space<vmem>>
    %dma_wait3A_34 = tpu.memref_squeeze %dma_wait3A_33 : memref<1x56x768xf32, #tpu.memory_space<vmem>> -> memref<56x768xf32, #tpu.memory_space<vmem>>
    %dma_wait3A_35 = arith.constant 0 : i32
    %dma_wait3A_36 = arith.constant 0 : i32
    %dma_wait3A_37 = tpu.memref_slice %arg4[%add3A_30, %dma_wait3A_35, %dma_wait3A_36] : memref<4096x56x768xf32, #tpu.memory_space<hbm>> -> memref<1x56x768xf32, #tpu.memory_space<hbm>>
    %dma_wait3A_38 = tpu.memref_squeeze %dma_wait3A_37 : memref<1x56x768xf32, #tpu.memory_space<hbm>> -> memref<56x768xf32, #tpu.memory_space<hbm>>
    %dma_wait3A_39 = arith.constant 0 : i32
    %dma_wait3A_40 = arith.constant 0 : i32
    %dma_wait3A_41 = tpu.memref_slice %arg4[%add3A_30, %dma_wait3A_39, %dma_wait3A_40] : memref<4096x56x768xf32, #tpu.memory_space<hbm>> -> memref<1x56x768xf32, #tpu.memory_space<hbm>>
    %dma_wait3A_42 = tpu.memref_squeeze %dma_wait3A_41 : memref<1x56x768xf32, #tpu.memory_space<hbm>> -> memref<56x768xf32, #tpu.memory_space<hbm>>
    %dma_wait3A_43 = arith.constant 0 : i32
    %dma_wait3A_44 = arith.constant 0 : i32
    %dma_wait3A_45 = tpu.memref_slice %arg6[%dma_wait3A, %dma_wait3A_43, %dma_wait3A_44] : memref<2x56x768xf32, #tpu.memory_space<vmem>> -> memref<1x56x768xf32, #tpu.memory_space<vmem>>
    %dma_wait3A_46 = tpu.memref_squeeze %dma_wait3A_45 : memref<1x56x768xf32, #tpu.memory_space<vmem>> -> memref<56x768xf32, #tpu.memory_space<vmem>>
    tpu.wait_dma2 semaphore(%arg9 : memref<!tpu.dma_semaphore, #tpu.memory_space<semaphore_mem>>) src(%dma_wait3A_46 : memref<56x768xf32, #tpu.memory_space<vmem>>) dst(%dma_wait3A_42 : memref<56x768xf32, #tpu.memory_space<hbm>>)
    %add3A_47 = arith.constant 127 : i32
    %add3A_48 = arith.addi %mul3A_2, %add3A_47 : i32
    %dma_wait3A_49 = arith.constant 1 : i32
    %dma_wait3A_50 = arith.constant 0 : i32
    %dma_wait3A_51 = arith.constant 0 : i32
    %dma_wait3A_52 = tpu.memref_slice %arg6[%dma_wait3A_49, %dma_wait3A_50, %dma_wait3A_51] : memref<2x56x768xf32, #tpu.memory_space<vmem>> -> memref<1x56x768xf32, #tpu.memory_space<vmem>>
    %dma_wait3A_53 = tpu.memref_squeeze %dma_wait3A_52 : memref<1x56x768xf32, #tpu.memory_space<vmem>> -> memref<56x768xf32, #tpu.memory_space<vmem>>
    %dma_wait3A_54 = arith.constant 0 : i32
    %dma_wait3A_55 = arith.constant 0 : i32
    %dma_wait3A_56 = tpu.memref_slice %arg4[%add3A_48, %dma_wait3A_54, %dma_wait3A_55] : memref<4096x56x768xf32, #tpu.memory_space<hbm>> -> memref<1x56x768xf32, #tpu.memory_space<hbm>>
    %dma_wait3A_57 = tpu.memref_squeeze %dma_wait3A_56 : memref<1x56x768xf32, #tpu.memory_space<hbm>> -> memref<56x768xf32, #tpu.memory_space<hbm>>
    %dma_wait3A_58 = arith.constant 0 : i32
    %dma_wait3A_59 = arith.constant 0 : i32
    %dma_wait3A_60 = tpu.memref_slice %arg4[%add3A_48, %dma_wait3A_58, %dma_wait3A_59] : memref<4096x56x768xf32, #tpu.memory_space<hbm>> -> memref<1x56x768xf32, #tpu.memory_space<hbm>>
    %dma_wait3A_61 = tpu.memref_squeeze %dma_wait3A_60 : memref<1x56x768xf32, #tpu.memory_space<hbm>> -> memref<56x768xf32, #tpu.memory_space<hbm>>
    %dma_wait3A_62 = arith.constant 0 : i32
    %dma_wait3A_63 = arith.constant 0 : i32
    %dma_wait3A_64 = tpu.memref_slice %arg6[%dma_wait3A_49, %dma_wait3A_62, %dma_wait3A_63] : memref<2x56x768xf32, #tpu.memory_space<vmem>> -> memref<1x56x768xf32, #tpu.memory_space<vmem>>
    %dma_wait3A_65 = tpu.memref_squeeze %dma_wait3A_64 : memref<1x56x768xf32, #tpu.memory_space<vmem>> -> memref<56x768xf32, #tpu.memory_space<vmem>>
    tpu.wait_dma2 semaphore(%arg10 : memref<!tpu.dma_semaphore, #tpu.memory_space<semaphore_mem>>) src(%dma_wait3A_65 : memref<56x768xf32, #tpu.memory_space<vmem>>) dst(%dma_wait3A_61 : memref<56x768xf32, #tpu.memory_space<hbm>>)
    return
  }
}

</mosaic_0001>

<sc_bundles>
// kernel: kernel.3.cloned.1.call-start
scs
__scs_entry_jumppad:
0x0: {  	(pc) =	sbr.rel $0x88, $3  }
0x1: {  	(tag) =	ssettag $0x0;
	lr =	simm.s32 $0x1  }
0x2: {  	[smem:$0x3F9F] =	sst lr;
	_ =	strace $0xD0000000  }
0x3: {  	_ = 	snop  }
0x4: {  	_ = 	snop  }
0x5: {  	_ = 	snop  }
0x6: {  	_ = 	snop  }
0x7: {  	_ = 	snop  }
__scs_overlays_trampoline_lowered:
0x8: {  	[smem:$0x3FAE] =	sst s0  }
0x9: {  	[smem:$0x3FAF] =	sst s1  }
0xa: {  	[smem:$0x3FB0] =	sst s2  }
0xb: {  	[smem:$0x3FB1] =	sst s3  }
0xc: {  	[smem:$0x3FB2] =	sst s4  }
0xd: {  	[smem:$0x3FB3] =	sst s5  }
0xe: {  	[smem:$0x3FB4] =	sst s6  }
0xf: {  	[smem:$0x3FB5] =	sst s7  }
0x10: {  	[smem:$0x3FB6] =	sst s8  }
0x11: {  	[smem:$0x3FB7] =	sst s9;
	s0 =	simm.s32 @!p0 $0x0  }
0x12: {  	s1 =	sld [smem:$0x3F9D];
	s0 =	simm.s32 @p0 $0x1  }
0x13: {  	[smem:$0x3FB8] =	sst s0;
	s0 =	simm.s32 @!p1 $0x0  }
0x14: {  	s2 =	sld [smem:$0x3F9C];
	s0 =	simm.s32 @p1 $0x1  }
0x15: {  	[smem:$0x3FB9] =	sst s0;
	s0 =	simm.s32 @!p2 $0x0  }
0x16: {  	s3 =	sld [smem:$0x3FDB];
	s0 =	simm.s32 @p2 $0x1  }
0x17: {  	s4 =	simm.s32 $0x1BF5;
	[smem:$0x3FBB] =	sst s0  }
0x18: {  	s0 =	sld [smem:$0x3F9E];
	_ =	swait.ge [sflag:s4], $0x0  }
0x19: {  	s7 =	sld [smem:$0x3F9F]  }
0x1a: {  	s8 =	sadd.s32 $0xFFFFE003, lr  }
0x1b: {  	s9 =	sadd.s32 $0xFFFFFEF7, lr;
	s5 =	simm.s32 $0xFFFFFFFF;
	p2 =	slt.u32 s8, $0xFFFFF086  }
0x1c: {  	p1 =	slt.u32 s9, $0xF7A;
	s5 =	simm.s32 @!p2 $0x0  }
0x1d: {  	s5 =	simm.s32 @p1 $0x1;
	p0 =	seq.s32 s7, s2  }
0x1e: {  	s7 =	smul.u32 @!p0 $0xF7A, s2;
	p2 =	seq.s32 @!p0 s5, $0x0  }
0x1f: {  	s9 =	smul.u32 $0xF7A, s1;
	s8 =	simm.s32 @!p0 $0x1BF5;
	p2 =	por !p2, p0  }
0x20: {  	[sflag:s8] =	ssyncset.s32 @!p0 $0xFFFFF086;
	s6 =	sadd.s32 @!p0 s3, s7;
	s7 =	simm.s32 @!p0 $0x108  }
0x21: {  	s3 =	sadd.s32 s3, s9;
	s6 =	sadd.s32 @!p0 $0x88, s6;
	s7 =	simm.s32 @p2 $0x1082  }
0x22: {  	[simem:s7], [sflag:s8] =	dma.local @!p0 [hbm:s6], $0xF7A  }
0x23: {  	s9 =	sor.u32 $0xD0000000, s2;
	s6 =	simm.s32 $0x108;
	_ =	swait.ge @!p0 [sflag:s8], $0x0  }
0x24: {  	s3 =	sadd.s32 $0x88, s3;
	s6 =	simm.s32 @!p1 $0x1082;
	[sflag:s4] =	ssyncset.s32 $0xFFFFF086  }
0x25: {  	[simem:s6], [sflag:s4] =	dma.local [hbm:s3], $0xF7A  }
0x26: {  	[smem:$0x3F9F] =	sst s1;
	(tag) =	ssettag s2;
	_ =	strace s9  }
0x27: {  	s1 =	sld [smem:$0x3FAF]  }
0x28: {  	s2 =	sld [smem:$0x3FB0]  }
0x29: {  	s4 =	sld [smem:$0x3FB2]  }
0x2a: {  	p0 =	seq.s32 s5, $0x0;
	s5 =	sld [smem:$0x3FB3]  }
0x2b: {  	s6 =	sld [smem:$0x3FB4]  }
0x2c: {  	s7 =	sld [smem:$0x3FB5]  }
0x2d: {  	s3 =	simm.s32 $0x108;
	s8 =	sld [smem:$0x3FB6]  }
0x2e: {  	s3 =	simm.s32 @!p0 $0x1082;
	s9 =	sld [smem:$0x3FB7]  }
0x2f: {  	lr =	sadd.s32 s0, s3;
	s0 =	sld [smem:$0x3FAE]  }
0x30: {  	s3 =	sld [smem:$0x3FB1]  }
0x31: {  	[smem:$0x3FBA] =	sst s10  }
0x32: {  	s10 =	sld [smem:$0x3FB8];
	_ =	sdelay $0x3  }
0x33: {  	p0 =	seq.s32 s10, $0x1;
	s10 =	sld [smem:$0x3FBA];
	_ =	sdelay $0x3  }
0x34: {  	[smem:$0x3FBA] =	sst s10  }
0x35: {  	s10 =	sld [smem:$0x3FB9];
	_ =	sdelay $0x3  }
0x36: {  	p1 =	seq.s32 s10, $0x1;
	s10 =	sld [smem:$0x3FBA];
	_ =	sdelay $0x3  }
0x37: {  	[smem:$0x3FBA] =	sst s10  }
0x38: {  	s10 =	sld [smem:$0x3FBB]  }
0x39: {  	_ = 	snop;
	(pc) =	sbr.ind lr, $3  }
0x3a: {  	_ = 	snop  }
0x3b: {  	_ = 	snop  }
0x3c: {  	p2 =	seq.s32 s10, $0x1;
	s10 =	sld [smem:$0x3FBA]  }
0x3d: {  	_ =	shalt  }
0x3e: {  	_ =	shalt  }
0x3f: {  	_ =	shalt  }
0x40: {  	_ =	shalt  }
0x41: {  	_ =	shalt  }
0x42: {  	_ =	shalt  }
0x43: {  	_ =	shalt  }
0x44: {  	_ =	shalt  }
0x45: {  	_ =	shalt  }
0x46: {  	_ =	shalt  }
0x47: {  	_ =	shalt  }
0x48: {  	_ =	shalt  }
0x49: {  	_ =	shalt  }
0x4a: {  	_ =	shalt  }
0x4b: {  	_ =	shalt  }
0x4c: {  	_ =	shalt  }
0x4d: {  	_ =	shalt  }
0x4e: {  	_ =	shalt  }
0x4f: {  	_ =	shalt  }
0x50: {  	_ =	shalt  }
0x51: {  	_ =	shalt  }
0x52: {  	_ =	shalt  }
0x53: {  	_ =	shalt  }
0x54: {  	_ =	shalt  }
0x55: {  	_ =	shalt  }
0x56: {  	_ =	shalt  }
0x57: {  	_ =	shalt  }
0x58: {  	_ =	shalt  }
0x59: {  	_ =	shalt  }
0x5a: {  	_ =	shalt  }
0x5b: {  	_ =	shalt  }
0x5c: {  	_ =	shalt  }
0x5d: {  	_ =	shalt  }
0x5e: {  	_ =	shalt  }
0x5f: {  	_ =	shalt  }
0x60: {  	_ =	shalt  }
0x61: {  	_ =	shalt  }
0x62: {  	_ =	shalt  }
0x63: {  	_ =	shalt  }
0x64: {  	_ =	shalt  }
0x65: {  	_ =	shalt  }
0x66: {  	_ =	shalt  }
0x67: {  	_ =	shalt  }
0x68: {  	_ =	shalt  }
0x69: {  	_ =	shalt  }
0x6a: {  	_ =	shalt  }
0x6b: {  	_ =	shalt  }
0x6c: {  	_ =	shalt  }
0x6d: {  	_ =	shalt  }
0x6e: {  	_ =	shalt  }
0x6f: {  	_ =	shalt  }
0x70: {  	_ =	shalt  }
0x71: {  	_ =	shalt  }
0x72: {  	_ =	shalt  }
0x73: {  	_ =	shalt  }
0x74: {  	_ =	shalt  }
0x75: {  	_ =	shalt  }
0x76: {  	_ =	shalt  }
0x77: {  	_ =	shalt  }
0x78: {  	_ =	shalt  }
0x79: {  	_ =	shalt  }
0x7a: {  	_ =	shalt  }
0x7b: {  	_ =	shalt  }
0x7c: {  	_ =	shalt  }
0x7d: {  	_ =	shalt  }
0x7e: {  	_ =	shalt  }
0x7f: {  	_ =	shalt  }
0x80: {  	_ =	shalt  }
0x81: {  	_ =	shalt  }
0x82: {  	_ =	shalt  }
0x83: {  	_ =	shalt  }
0x84: {  	_ =	shalt  }
0x85: {  	_ =	shalt  }
0x86: {  	_ =	shalt  }
0x87: {  	_ =	shalt  }
.Lfunc_end0:
.L_simem_size_0:
called_computation.1_lowered:
.L_overlay_start_0:
0x88: {  	s2 =	sld [smem:$0x3FD9]  }
0x89: {  	s3 =	sld [smem:$0x3FFE];
	_ =	sdelay $0x1  }
0x8a: {  	s1 =	srdreg.scid  }
0x8b: {  	s0 =	sand.u32 $0x1, s1  }
0x8c: {  	s17 =	sshll.u32 s0, $0xA;
	s2 =	sadd.s32 s3, s2  }
0x8d: {  	s2 =	sadd.s32 s2, s17  }
0x8e: {  	[smem:$0x3FC6] =	sst s2  }
0x8f: {  	_ = 	snop  }
0x90: {  	s2 =	sld [smem:$0x3FC8]  }
0x91: {  	s18 =	sld [smem:$0x3FD0];
	(tm) =	ssettm $0x1  }
0x92: {  	s4 =	sld [smem:$0x3FFB];
	_ =	sdelay $0x3  }
0x93: {  	_ =	strace s4  }
0x94: {  	s4 =	sld [smem:$0x3FFC];
	_ =	sdelay $0x3  }
0x95: {  	_ =	strace s4  }
0x96: {  	s4 =	sld [smem:$0x3FFD];
	_ =	sdelay $0x3  }
0x97: {  	_ =	strace s4  }
0x98: {  	_ =	strace $0x8FFFFFFF  }
0x99: {  	s19 =	sld [smem:$0x3FDB];
	_ =	sdelay $0x1  }
0x9a: {  	s5 =	simm.s32 $_scs_section_size  }
0x9b: {  	s6 =	simm.s32 $_size__tile_overlayer_lowered;
	s7 =	simm.s32 $_tile_overlayer_lowered  }
0x9c: {  	s22 =	simm.s32 $0x1BFF;
	s21 =	sshll.u32 s7, $0x1;
	s4 =	sadd.s32 s5, s19  }
0x9d: {  	s8 =	simm.s32 $0x0;
	s20 =	sshll.u32 s6, $0x1;
	s6 =	sadd.s32 s21, s4  }
0x9e: {  	[timem:s8], [sflag:s22] =	dma.local [hbm:s6], s20  }
0x9f: {  	_ =	swait.ge [sflag:s22], s20  }
0xa0: {  	s5 =	ssub.s32 $0x0, s20;
	[sflag:s22] =	ssyncset.done $0x0  }
0xa1: {  	[sflag:s22] =	ssyncadd.s32 s5;
	_ =	sdelay $0x1  }
0xa2: {  	s23 =	simm.s32 $0x1B8B  }
0xa3: {  	_ =	swait.ge [sflag:s23], $0x1  }
0xa4: {  	[sflag:s23] =	ssyncset.done $0x0  }
0xa5: {  	s25 =	simm.s32 $0x1B8E;
	s24 =	sld [smem:$0x3FFE];
	[sflag:s23] =	ssyncadd.s32 $0xFFFFFFFF  }
0xa6: {  	s26 =	simm.s32 $execute0_lowered;
	[smem:$0x3FD2] =	sst s25  }
0xa7: {  	s6 =	sshll.u32 s26, $0x1;
	_ =	strace $0x80000046;
	[dreg:$0x1] =	wrdreg $0xFFFFFFFF  }
0xa8: {  	s28 =	simm.s32 $_size_execute0_lowered;
	s4 =	sadd.s32 s4, s6;
	[dreg:$0x0] =	wrdreg $0x0  }
0xa9: {  	s6 =	sshll.u32 s28, $0x1;
	[dreg:$0x2] =	wrdreg s4  }
0xaa: {  	[dreg:$0x3] =	wrdreg s6  }
0xab: {  	[dreg:$0x4] =	wrdreg $0xC0  }
0xac: {  	_ =	task [dreg:s8], $0x5FFFF  }
0xad: {  	[dreg:$0x1] =	wrdreg $0xFFFFFFFF  }
0xae: {  	[dreg:$0x0] =	wrdreg $0x60  }
0xaf: {  	[dreg:$0x2] =	wrdreg s18  }
0xb0: {  	[dreg:$0x3] =	wrdreg s2  }
0xb1: {  	[dreg:$0x4] =	wrdreg s24  }
0xb2: {  	[dreg:$0x5] =	wrdreg $0x9  }
0xb3: {  	_ =	task.clear_ibuf [dreg:s8], $0x6FFFF;
	_ =	strace $0x90000046  }
0xb4: {  	s29 =	simm.s32 $0x9;
	_ =	strace $0x80000048  }
0xb5: {  	_ =	swait.ge [sflag:s29], $0x1  }
0xb6: {  	[sflag:s29] =	ssyncadd.s32 $0xFFFFFFFF  }
0xb7: {  	_ =	strace $0x90000048  }
0xb8: {  	_ =	sfence  }
0xb9: {  	s30 =	sld [smem:$0x0];
	_ =	sdelay $0x2  }
0xba: {  	s31 =	sshll.u32 s1, $0xD;
	s1 =	sshrl.u32 s1, $0x2  }
0xbb: {  	s3 =	sand.u32 $0x4000, s31;
	s1 =	sadd.s32 s1, s30  }
0xbc: {  	s0 =	sor.u32 s3, s0;
	s1 =	sshll.u32 s1, $0x11  }
0xbd: {  	s0 =	sor.u32 s1, s0  }
0xbe: {  	s0 =	sadd.s32 $0x8F2B, s0  }
0xbf: {  	[sflag:s0] =	ssyncadd.remote.s32 $0x1  }
0xc0: {  	_ =	sfence.sel $0xFFFF  }
0xc1: {  	[dreg:$0x0] =	wrdreg $0xFFFFFFFF;
	(pc) =	sbr.abs _section_cstart, $3  }
0xc2: {  	[dreg:$0x1] =	wrdreg $0xFFFFFFFF  }
0xc3: {  	_ =	task.clear_ibuf [dreg:s8], $0x2FFFF;
	_ =	strace $0x9FFFFFFF  }
0xc4: {  	(tm) =	ssettm $0x7FFFFFFF  }
0xc5: {  	_ =	shalt  }
tec
execute0_lowered:
.L_overlay_start_1:
0x0: {  	(tag) =	ssettag $0x1  }
0x1: {  	s0 =	rddreg [dreg:$0x0]  }
0x2: {  	s2 =	rddreg [dreg:$0x1];
	s5 =	stileid.u32  }
0x3: {  	s1 =	srdreg.scid;
	s4 =	rddreg [dreg:$0x2];
	s10 =	simm.s32 $0x1C00  }
0x4: {  	s9 =	simm.s32 $0xCC00;
	s11 =	simm.s32 $0xEC00;
	s12 =	simm.s32 $0xF400  }
0x5: {  	s13 =	simm.s32 $0xFC00;
	s14 =	simm.s32 $0x10400;
	s15 =	simm.s32 $0x10C00  }
0x6: {  	s16 =	simm.s32 $0x11400;
	s17 =	simm.s32 $0x11C00;
	s18 =	simm.s32 $0x12400  }
0x7: {  	s19 =	simm.s32 $0x12C00;
	s20 =	simm.s32 $0x13400;
	s21 =	simm.s32 $0x13C00  }
0x8: {  	s22 =	simm.s32 $0x14400;
	s23 =	simm.s32 $0x14C00;
	s24 =	simm.s32 $0x15400  }
0x9: {  	s28 =	simm.s32 $0x1;
	s29 =	simm.s32 $0x2;
	s30 =	simm.s32 $0x3  }
0xa: {  	s1 =	sand.u32 $0x1, s1;
	s3 =	sshll.u32 s5, $0x1;
	s5 =	smul.u32 $0x150000, s5  }
0xb: {  	s6 =	sor.u32 s1, s3;
	s7 =	ssub.s32 $0x2, s1;
	s1 =	smul.u32 $0xA8000, s1  }
0xc: {  	s31 =	simm.s32 $0x4;
	s3 =	simm.s32 $0x0;
	s6 =	smul.u32 $0x380, s6  }
0xd: {  	[smem:$0x7FF] =	sst s3;
	s8 =	sshrl.u32 s7, $0x1;
	s4 =	sadd.s32 s5, s4  }
.Ltmp0:
0xe: {  	s5 =	sadd.s32 $0x100, s2;
	_ =	strace $0x80000047;
	(pc) =	sbr.rel .LBB2_1-.Ltmp0, $4  }
0xf: {  	s7 =	ssub.s32 s7, s8;
	s25 =	sadd.s32 s1, s4;
	s1 =	simm.s32 $0xC400  }
0x10: {  	v2 =	vlaneseq.u32;
	s4 =	simm.s32 $0x0;
	s0 =	sadd.s32 s0, s6;
	s6 =	sadd.s32 $0x200, s2  }
0x11: {  	vm0 =	vmmov $0xffff;
	v1 =	vshrl.u32 v2, $0x3;
	s26 =	smax.u32 s7, $0x1;
	s8 =	sadd.s32 $0x800, s25;
	[dreg:$0x4] =	wrdreg s0  }
0x12: {  	v0 =	vand.u32 $0x7, v2;
	v2 =	vor.u32 $0x8, v2;
	v1 =	vmul.u32 $0x8, v1;
	s25 =	simm.s32 $0x15C00;
	[dreg:$0x5] =	wrdreg s26;
	s26 =	simm.s32 $0x16400  }
.LBB2_6:
0x13: {  	_ =	swait.ge [sflag:s30], $0xA800  }
0x14: {  	[sflag:s30] =	ssyncset.done $0x0  }
0x15: {  	[sflag:s30] =	ssyncadd.s32 $0xFFFF5800  }
0x16: {  	_ =	swait.ge [sflag:s31], $0xA800  }
0x17: {  	s4 =	rddreg [dreg:$0x6]  }
0x18: {  	s0 =	rddreg [dreg:$0x5];
	s4 =	sadd.s32 $0x1, s4  }
0x19: {  	p0 =	sne.s32 s4, s0  }
.Ltmp1:
0x1a: {  	_ = 	snop;
	(pc) =	sbr.rel @!p0 .LBB2_7-.Ltmp1, $3  }
0x1b: {  	_ =	sdelay $0x1  }
0x1c: {  	[sflag:s31] =	ssyncset.done $0x0  }
0x1d: {  	[sflag:s31] =	ssyncadd.s32 $0xFFFF5800  }
.LBB2_1:
0x1e: {  	[dreg:$0x6] =	wrdreg s4  }
0x1f: {  	s0 =	rddreg [dreg:$0x4];
	s4 =	simm.s32 $0x5  }
0x20: {  	[tilespmem:s3], [sflag:$0x5] =	stream.linear.gather [hbm4b:s0+s3], $0x1C00, $0x38;
	[tilespmem:$0x16C00] =	vst v63  }
0x21: {  	_ =	swait.ge [sflag:s4], $0x1C00  }
0x22: {  	[sflag:s4] =	ssyncset.done $0x0  }
0x23: {  	[sflag:s4] =	ssyncadd.s32 $0xFFFFE400  }
0x24: {  	v3 =	vld [tilespmem:$0x0];
	_ =	sdelay $0x4  }
0x25: {  	v4 =	vshrl.u32 v3, $0x3  }
0x26: {  	v4 =	vmul.u32 $0x30, v4  }
0x27: {  	v3 =	vand.u32 $0x7, v3  }
0x28: {  	v3 =	vor.u32 v3, v4  }
0x29: {  	v4 =	vperm.xlane v3, v0;
	_ =	sdelay $0x1  }
0x2a: {  	v4 =	vadd.s32 v1, v4;
	_ =	sdelay $0x3  }
0x2b: {  	v3 =	vperm.xlane v3, v2  }
0x2c: {  	[tilespmem:s10], [sflag:$0x1] =	stream.indirect_vreg.gather [hbm4b:s2+s3], $0x80, v4, vm0, $0xb8;
	[tilespmem:$0x16C00] =	vst v63  }
0x2d: {  	s7 =	simm.s32 $0x2400;
	v3 =	vadd.s32 v1, v3  }
0x2e: {  	[tilespmem:s7], [sflag:$0x1] =	stream.indirect_vreg.gather [hbm4b:s5+s3], $0x80, v4, vm0, $0xb8;
	[tilespmem:$0x16C00] =	vst v63  }
0x2f: {  	s4 =	simm.s32 $0x2C00  }
0x30: {  	[tilespmem:s4], [sflag:$0x1] =	stream.indirect_vreg.gather [hbm4b:s6+s3], $0x80, v4, vm0, $0xb8;
	[tilespmem:$0x16C00] =	vst v63  }
0x31: {  	s7 =	simm.s32 $0x3400  }
0x32: {  	[tilespmem:s7], [sflag:$0x1] =	stream.indirect_vreg.gather [hbm4b:s2+s3], $0x80, v3, vm0, $0xb8;
	[tilespmem:$0x16C00] =	vst v63  }
0x33: {  	s4 =	simm.s32 $0x3C00  }
0x34: {  	[tilespmem:s4], [sflag:$0x1] =	stream.indirect_vreg.gather [hbm4b:s5+s3], $0x80, v3, vm0, $0xb8;
	[tilespmem:$0x16C00] =	vst v63  }
0x35: {  	s7 =	simm.s32 $0x4400  }
0x36: {  	[tilespmem:s7], [sflag:$0x1] =	stream.indirect_vreg.gather [hbm4b:s6+s3], $0x80, v3, vm0, $0xb8;
	[tilespmem:$0x16C00] =	vst v63  }
0x37: {  	v3 =	vld [tilespmem:$0x10];
	_ =	sdelay $0x4  }
0x38: {  	v57 =	vshrl.u32 v3, $0x3  }
0x39: {  	v4 =	vmul.u32 $0x30, v57  }
0x3a: {  	v3 =	vand.u32 $0x7, v3  }
0x3b: {  	v3 =	vor.u32 v3, v4  }
0x3c: {  	v4 =	vperm.xlane v3, v0;
	_ =	sdelay $0x1  }
0x3d: {  	v4 =	vadd.s32 v1, v4;
	_ =	sdelay $0x3  }
0x3e: {  	s4 =	simm.s32 $0x4C00;
	v3 =	vperm.xlane v3, v2  }
0x3f: {  	[tilespmem:s4], [sflag:$0x1] =	stream.indirect_vreg.gather [hbm4b:s2+s3], $0x80, v4, vm0, $0xb8;
	[tilespmem:$0x16C00] =	vst v63  }
0x40: {  	s7 =	simm.s32 $0x5400;
	v3 =	vadd.s32 v1, v3  }
0x41: {  	[tilespmem:s7], [sflag:$0x1] =	stream.indirect_vreg.gather [hbm4b:s5+s3], $0x80, v4, vm0, $0xb8;
	[tilespmem:$0x16C00] =	vst v63  }
0x42: {  	s4 =	simm.s32 $0x5C00  }
0x43: {  	[tilespmem:s4], [sflag:$0x1] =	stream.indirect_vreg.gather [hbm4b:s6+s3], $0x80, v4, vm0, $0xb8;
	[tilespmem:$0x16C00] =	vst v63  }
0x44: {  	s7 =	simm.s32 $0x6400  }
0x45: {  	[tilespmem:s7], [sflag:$0x1] =	stream.indirect_vreg.gather [hbm4b:s2+s3], $0x80, v3, vm0, $0xb8;
	[tilespmem:$0x16C00] =	vst v63  }
0x46: {  	s4 =	simm.s32 $0x6C00  }
0x47: {  	[tilespmem:s4], [sflag:$0x1] =	stream.indirect_vreg.gather [hbm4b:s5+s3], $0x80, v3, vm0, $0xb8;
	[tilespmem:$0x16C00] =	vst v63  }
0x48: {  	s7 =	simm.s32 $0x7400  }
0x49: {  	[tilespmem:s7], [sflag:$0x1] =	stream.indirect_vreg.gather [hbm4b:s6+s3], $0x80, v3, vm0, $0xb8;
	[tilespmem:$0x16C00] =	vst v63  }
0x4a: {  	v3 =	vld [tilespmem:$0x20];
	_ =	sdelay $0x4  }
0x4b: {  	v58 =	vshrl.u32 v3, $0x3  }
0x4c: {  	v4 =	vmul.u32 $0x30, v58  }
0x4d: {  	v3 =	vand.u32 $0x7, v3  }
0x4e: {  	v3 =	vor.u32 v3, v4  }
0x4f: {  	v4 =	vperm.xlane v3, v0;
	_ =	sdelay $0x1  }
0x50: {  	v4 =	vadd.s32 v1, v4;
	_ =	sdelay $0x3  }
0x51: {  	s4 =	simm.s32 $0x7C00;
	v3 =	vperm.xlane v3, v2  }
0x52: {  	[tilespmem:s4], [sflag:$0x1] =	stream.indirect_vreg.gather [hbm4b:s2+s3], $0x80, v4, vm0, $0xb8;
	[tilespmem:$0x16C00] =	vst v63  }
0x53: {  	s7 =	simm.s32 $0x8400;
	v3 =	vadd.s32 v1, v3  }
0x54: {  	[tilespmem:s7], [sflag:$0x1] =	stream.indirect_vreg.gather [hbm4b:s5+s3], $0x80, v4, vm0, $0xb8;
	[tilespmem:$0x16C00] =	vst v63  }
0x55: {  	s4 =	simm.s32 $0x8C00  }
0x56: {  	[tilespmem:s4], [sflag:$0x1] =	stream.indirect_vreg.gather [hbm4b:s6+s3], $0x80, v4, vm0, $0xb8;
	[tilespmem:$0x16C00] =	vst v63  }
0x57: {  	s7 =	simm.s32 $0x9400  }
0x58: {  	[tilespmem:s7], [sflag:$0x1] =	stream.indirect_vreg.gather [hbm4b:s2+s3], $0x80, v3, vm0, $0xb8;
	[tilespmem:$0x16C00] =	vst v63  }
0x59: {  	s4 =	simm.s32 $0x9C00  }
0x5a: {  	[tilespmem:s4], [sflag:$0x1] =	stream.indirect_vreg.gather [hbm4b:s5+s3], $0x80, v3, vm0, $0xb8;
	[tilespmem:$0x16C00] =	vst v63  }
0x5b: {  	s7 =	simm.s32 $0xA400  }
0x5c: {  	[tilespmem:s7], [sflag:$0x1] =	stream.indirect_vreg.gather [hbm4b:s6+s3], $0x80, v3, vm0, $0xb8;
	[tilespmem:$0x16C00] =	vst v63  }
0x5d: {  	v3 =	vld.msk [tilespmem:$0x30], $0xff;
	_ =	sdelay $0x4  }
0x5e: {  	v59 =	vshrl.u32 v3, $0x3  }
0x5f: {  	v4 =	vmul.u32 $0x30, v59  }
0x60: {  	v3 =	vand.u32 $0x7, v3  }
0x61: {  	v3 =	vor.u32 v3, v4  }
0x62: {  	v3 =	vperm.xlane v3, v0;
	_ =	sdelay $0x1  }
0x63: {  	v3 =	vadd.s32 v1, v3;
	_ =	sdelay $0x3  }
0x64: {  	s4 =	simm.s32 $0xAC00  }
0x65: {  	[tilespmem:s4], [sflag:$0x1] =	stream.indirect_vreg.gather [hbm4b:s2+s3], $0x80, v3, vm0, $0xb8;
	[tilespmem:$0x16C00] =	vst v63  }
0x66: {  	s7 =	simm.s32 $0xB400  }
0x67: {  	[tilespmem:s7], [sflag:$0x1] =	stream.indirect_vreg.gather [hbm4b:s5+s3], $0x80, v3, vm0, $0xb8;
	[tilespmem:$0x16C00] =	vst v63  }
0x68: {  	s4 =	simm.s32 $0xBC00  }
0x69: {  	[tilespmem:s4], [sflag:$0x1] =	stream.indirect_vreg.gather [hbm4b:s6+s3], $0x80, v3, vm0, $0xb8;
	[tilespmem:$0x16C00] =	vst v63  }
0x6a: {  	v3 =	vld [tilespmem:$0x38];
	_ =	sdelay $0x4  }
0x6b: {  	v60 =	vshrl.u32 v3, $0x3  }
0x6c: {  	v4 =	vmul.u32 $0x30, v60  }
0x6d: {  	v3 =	vand.u32 $0x7, v3  }
0x6e: {  	v3 =	vor.u32 v3, v4  }
0x6f: {  	v4 =	vperm.xlane v3, v0;
	_ =	sdelay $0x1  }
0x70: {  	v4 =	vadd.s32 v1, v4;
	_ =	sdelay $0x3  }
0x71: {  	v3 =	vperm.xlane v3, v2  }
0x72: {  	[tilespmem:s1], [sflag:$0x2] =	stream.indirect_vreg.gather [hbm4b:s2+s3], $0x80, v4, vm0, $0xb8;
	[tilespmem:$0x16C00] =	vst v63  }
0x73: {  	v3 =	vadd.s32 v1, v3  }
0x74: {  	[tilespmem:s9], [sflag:$0x2] =	stream.indirect_vreg.gather [hbm4b:s5+s3], $0x80, v4, vm0, $0xb8;
	[tilespmem:$0x16C00] =	vst v63  }
0x75: {  	s7 =	simm.s32 $0xD400  }
0x76: {  	[tilespmem:s7], [sflag:$0x2] =	stream.indirect_vreg.gather [hbm4b:s6+s3], $0x80, v4, vm0, $0xb8;
	[tilespmem:$0x16C00] =	vst v63  }
0x77: {  	s4 =	simm.s32 $0xDC00  }
0x78: {  	[tilespmem:s4], [sflag:$0x2] =	stream.indirect_vreg.gather [hbm4b:s2+s3], $0x80, v3, vm0, $0xb8;
	[tilespmem:$0x16C00] =	vst v63  }
0x79: {  	s7 =	simm.s32 $0xE400  }
0x7a: {  	[tilespmem:s7], [sflag:$0x2] =	stream.indirect_vreg.gather [hbm4b:s5+s3], $0x80, v3, vm0, $0xb8;
	[tilespmem:$0x16C00] =	vst v63  }
0x7b: {  	_ = 	snop  }
0x7c: {  	[tilespmem:s11], [sflag:$0x2] =	stream.indirect_vreg.gather [hbm4b:s6+s3], $0x80, v3, vm0, $0xb8;
	[tilespmem:$0x16C00] =	vst v63  }
0x7d: {  	v3 =	vld [tilespmem:$0x48];
	_ =	sdelay $0x4  }
0x7e: {  	v61 =	vshrl.u32 v3, $0x3  }
0x7f: {  	v4 =	vmul.u32 $0x30, v61  }
0x80: {  	v3 =	vand.u32 $0x7, v3  }
0x81: {  	v3 =	vor.u32 v3, v4  }
0x82: {  	v4 =	vperm.xlane v3, v0;
	_ =	sdelay $0x1  }
0x83: {  	v4 =	vadd.s32 v1, v4;
	_ =	sdelay $0x3  }
0x84: {  	v3 =	vperm.xlane v3, v2  }
0x85: {  	[tilespmem:s12], [sflag:$0x2] =	stream.indirect_vreg.gather [hbm4b:s2+s3], $0x80, v4, vm0, $0xb8;
	[tilespmem:$0x16C00] =	vst v63  }
0x86: {  	v3 =	vadd.s32 v1, v3  }
0x87: {  	[tilespmem:s13], [sflag:$0x2] =	stream.indirect_vreg.gather [hbm4b:s5+s3], $0x80, v4, vm0, $0xb8;
	[tilespmem:$0x16C00] =	vst v63  }
0x88: {  	_ = 	snop  }
0x89: {  	[tilespmem:s14], [sflag:$0x2] =	stream.indirect_vreg.gather [hbm4b:s6+s3], $0x80, v4, vm0, $0xb8;
	[tilespmem:$0x16C00] =	vst v63  }
0x8a: {  	_ = 	snop  }
0x8b: {  	[tilespmem:s15], [sflag:$0x2] =	stream.indirect_vreg.gather [hbm4b:s2+s3], $0x80, v3, vm0, $0xb8;
	[tilespmem:$0x16C00] =	vst v63  }
0x8c: {  	_ = 	snop  }
0x8d: {  	[tilespmem:s16], [sflag:$0x2] =	stream.indirect_vreg.gather [hbm4b:s5+s3], $0x80, v3, vm0, $0xb8;
	[tilespmem:$0x16C00] =	vst v63  }
0x8e: {  	_ = 	snop  }
0x8f: {  	[tilespmem:s17], [sflag:$0x2] =	stream.indirect_vreg.gather [hbm4b:s6+s3], $0x80, v3, vm0, $0xb8;
	[tilespmem:$0x16C00] =	vst v63  }
0x90: {  	v3 =	vld [tilespmem:$0x58];
	_ =	sdelay $0x4  }
0x91: {  	v62 =	vshrl.u32 v3, $0x3  }
0x92: {  	v4 =	vmul.u32 $0x30, v62  }
0x93: {  	v3 =	vand.u32 $0x7, v3  }
0x94: {  	v3 =	vor.u32 v3, v4  }
0x95: {  	v4 =	vperm.xlane v3, v0;
	_ =	sdelay $0x1  }
0x96: {  	v4 =	vadd.s32 v1, v4;
	_ =	sdelay $0x3  }
0x97: {  	v3 =	vperm.xlane v3, v2  }
0x98: {  	[tilespmem:s18], [sflag:$0x2] =	stream.indirect_vreg.gather [hbm4b:s2+s3], $0x80, v4, vm0, $0xb8;
	[tilespmem:$0x16C00] =	vst v63  }
0x99: {  	v3 =	vadd.s32 v1, v3  }
0x9a: {  	[tilespmem:s19], [sflag:$0x2] =	stream.indirect_vreg.gather [hbm4b:s5+s3], $0x80, v4, vm0, $0xb8;
	[tilespmem:$0x16C00] =	vst v63  }
0x9b: {  	_ = 	snop  }
0x9c: {  	[tilespmem:s20], [sflag:$0x2] =	stream.indirect_vreg.gather [hbm4b:s6+s3], $0x80, v4, vm0, $0xb8;
	[tilespmem:$0x16C00] =	vst v63  }
0x9d: {  	_ = 	snop  }
0x9e: {  	[tilespmem:s21], [sflag:$0x2] =	stream.indirect_vreg.gather [hbm4b:s2+s3], $0x80, v3, vm0, $0xb8;
	[tilespmem:$0x16C00] =	vst v63  }
0x9f: {  	_ = 	snop  }
0xa0: {  	[tilespmem:s22], [sflag:$0x2] =	stream.indirect_vreg.gather [hbm4b:s5+s3], $0x80, v3, vm0, $0xb8;
	[tilespmem:$0x16C00] =	vst v63  }
0xa1: {  	_ = 	snop  }
0xa2: {  	[tilespmem:s23], [sflag:$0x2] =	stream.indirect_vreg.gather [hbm4b:s6+s3], $0x80, v3, vm0, $0xb8;
	[tilespmem:$0x16C00] =	vst v63  }
0xa3: {  	v3 =	vld.msk [tilespmem:$0x68], $0xff;
	_ =	sdelay $0x4  }
0xa4: {  	v63 =	vshrl.u32 v3, $0x3  }
0xa5: {  	v4 =	vmul.u32 $0x30, v63  }
0xa6: {  	v3 =	vand.u32 $0x7, v3  }
0xa7: {  	v3 =	vor.u32 v3, v4  }
0xa8: {  	v3 =	vperm.xlane v3, v0;
	_ =	sdelay $0x1  }
0xa9: {  	v3 =	vadd.s32 v1, v3;
	_ =	sdelay $0x4  }
0xaa: {  	[tilespmem:s24], [sflag:$0x2] =	stream.indirect_vreg.gather [hbm4b:s2+s3], $0x80, v3, vm0, $0xb8;
	[tilespmem:$0x16C00] =	vst v63  }
0xab: {  	_ = 	snop  }
0xac: {  	[tilespmem:s25], [sflag:$0x2] =	stream.indirect_vreg.gather [hbm4b:s5+s3], $0x80, v3, vm0, $0xb8;
	[tilespmem:$0x16C00] =	vst v63  }
0xad: {  	s0 =	simm.s32 $0xD8;
	s4 =	simm.s32 $0x0  }
0xae: {  	[tilespmem:s26], [sflag:$0x2] =	stream.indirect_vreg.gather [hbm4b:s6+s3], $0x80, v3, vm0, $0xb8;
	[tilespmem:$0x16C00] =	vst v63  }
.LBB2_2:
0xaf: {  	p0 =	seq.s32 s4, $0xA5600  }
.Ltmp2:
0xb0: {  	_ = 	snop;
	(pc) =	sbr.rel @p0 .LBB2_4-.Ltmp2, $4  }
0xb1: {  	_ =	swait.ge [sflag:s28], $0xA800  }
0xb2: {  	[sflag:s28] =	ssyncset.done $0x0  }
0xb3: {  	s7 =	sadd.s32 s4, s8;
	[sflag:s28] =	ssyncadd.s32 $0xFFFF5800  }
0xb4: {  	[hbm4b:s7+s3] =	stream.linear.scatter [tilespmem:s10], [sflag:$0x3], $0xA800, $0x38;
	[tilespmem:$0x16C00] =	vst v63  }
0xb5: {  	_ =	swait.ge [sflag:s30], $0xA800  }
0xb6: {  	[sflag:s30] =	ssyncset.done $0x0  }
0xb7: {  	[sflag:s30] =	ssyncadd.s32 $0xFFFF5800  }
0xb8: {  	v3 =	vld [tilespmem:s0+$0xFFFFFF98];
	_ =	sdelay $0x4  }
0xb9: {  	v4 =	vshrl.u32 v3, $0x3  }
0xba: {  	v4 =	vmul.u32 $0x30, v4  }
0xbb: {  	v3 =	vand.u32 $0x7, v3  }
0xbc: {  	v3 =	vor.u32 v3, v4  }
0xbd: {  	v4 =	vperm.xlane v3, v0;
	_ =	sdelay $0x1  }
0xbe: {  	v4 =	vadd.s32 v1, v4;
	_ =	sdelay $0x3  }
0xbf: {  	v3 =	vperm.xlane v3, v2  }
0xc0: {  	[tilespmem:s10], [sflag:$0x1] =	stream.indirect_vreg.gather [hbm4b:s2+s3], $0x80, v4, vm0, $0xb8;
	[tilespmem:$0x16C00] =	vst v63  }
0xc1: {  	s9 =	simm.s32 $0x2400;
	v3 =	vadd.s32 v1, v3  }
0xc2: {  	[tilespmem:s9], [sflag:$0x1] =	stream.indirect_vreg.gather [hbm4b:s5+s3], $0x80, v4, vm0, $0xb8;
	[tilespmem:$0x16C00] =	vst v63  }
0xc3: {  	s9 =	simm.s32 $0x2C00  }
0xc4: {  	[tilespmem:s9], [sflag:$0x1] =	stream.indirect_vreg.gather [hbm4b:s6+s3], $0x80, v4, vm0, $0xb8;
	[tilespmem:$0x16C00] =	vst v63  }
0xc5: {  	s9 =	simm.s32 $0x3400  }
0xc6: {  	[tilespmem:s9], [sflag:$0x1] =	stream.indirect_vreg.gather [hbm4b:s2+s3], $0x80, v3, vm0, $0xb8;
	[tilespmem:$0x16C00] =	vst v63  }
0xc7: {  	s9 =	simm.s32 $0x3C00  }
0xc8: {  	[tilespmem:s9], [sflag:$0x1] =	stream.indirect_vreg.gather [hbm4b:s5+s3], $0x80, v3, vm0, $0xb8;
	[tilespmem:$0x16C00] =	vst v63  }
0xc9: {  	s9 =	simm.s32 $0x4400  }
0xca: {  	[tilespmem:s9], [sflag:$0x1] =	stream.indirect_vreg.gather [hbm4b:s6+s3], $0x80, v3, vm0, $0xb8;
	[tilespmem:$0x16C00] =	vst v63  }
0xcb: {  	v3 =	vld [tilespmem:s0+$0xFFFFFFA8];
	_ =	sdelay $0x4  }
0xcc: {  	v61 =	vshrl.u32 v3, $0x3  }
0xcd: {  	v4 =	vmul.u32 $0x30, v61  }
0xce: {  	v3 =	vand.u32 $0x7, v3  }
0xcf: {  	v3 =	vor.u32 v3, v4  }
0xd0: {  	v4 =	vperm.xlane v3, v0;
	_ =	sdelay $0x1  }
0xd1: {  	v4 =	vadd.s32 v1, v4;
	_ =	sdelay $0x3  }
0xd2: {  	s9 =	simm.s32 $0x4C00;
	v3 =	vperm.xlane v3, v2  }
0xd3: {  	[tilespmem:s9], [sflag:$0x1] =	stream.indirect_vreg.gather [hbm4b:s2+s3], $0x80, v4, vm0, $0xb8;
	[tilespmem:$0x16C00] =	vst v63  }
0xd4: {  	v3 =	vadd.s32 v1, v3;
	s9 =	simm.s32 $0x5400  }
0xd5: {  	[tilespmem:s9], [sflag:$0x1] =	stream.indirect_vreg.gather [hbm4b:s5+s3], $0x80, v4, vm0, $0xb8;
	[tilespmem:$0x16C00] =	vst v63  }
0xd6: {  	s9 =	simm.s32 $0x5C00  }
0xd7: {  	[tilespmem:s9], [sflag:$0x1] =	stream.indirect_vreg.gather [hbm4b:s6+s3], $0x80, v4, vm0, $0xb8;
	[tilespmem:$0x16C00] =	vst v63  }
0xd8: {  	s9 =	simm.s32 $0x6400  }
0xd9: {  	[tilespmem:s9], [sflag:$0x1] =	stream.indirect_vreg.gather [hbm4b:s2+s3], $0x80, v3, vm0, $0xb8;
	[tilespmem:$0x16C00] =	vst v63  }
0xda: {  	s9 =	simm.s32 $0x6C00  }
0xdb: {  	[tilespmem:s9], [sflag:$0x1] =	stream.indirect_vreg.gather [hbm4b:s5+s3], $0x80, v3, vm0, $0xb8;
	[tilespmem:$0x16C00] =	vst v63  }
0xdc: {  	s9 =	simm.s32 $0x7400  }
0xdd: {  	[tilespmem:s9], [sflag:$0x1] =	stream.indirect_vreg.gather [hbm4b:s6+s3], $0x80, v3, vm0, $0xb8;
	[tilespmem:$0x16C00] =	vst v63  }
0xde: {  	v3 =	vld [tilespmem:s0+$0xFFFFFFB8];
	_ =	sdelay $0x4  }
0xdf: {  	v62 =	vshrl.u32 v3, $0x3  }
0xe0: {  	v4 =	vmul.u32 $0x30, v62  }
0xe1: {  	v3 =	vand.u32 $0x7, v3  }
0xe2: {  	v3 =	vor.u32 v3, v4  }
0xe3: {  	v4 =	vperm.xlane v3, v0;
	_ =	sdelay $0x1  }
0xe4: {  	v4 =	vadd.s32 v1, v4;
	_ =	sdelay $0x3  }
0xe5: {  	s9 =	simm.s32 $0x7C00;
	v3 =	vperm.xlane v3, v2  }
0xe6: {  	[tilespmem:s9], [sflag:$0x1] =	stream.indirect_vreg.gather [hbm4b:s2+s3], $0x80, v4, vm0, $0xb8;
	[tilespmem:$0x16C00] =	vst v63  }
0xe7: {  	v3 =	vadd.s32 v1, v3;
	s9 =	simm.s32 $0x8400  }
0xe8: {  	[tilespmem:s9], [sflag:$0x1] =	stream.indirect_vreg.gather [hbm4b:s5+s3], $0x80, v4, vm0, $0xb8;
	[tilespmem:$0x16C00] =	vst v63  }
0xe9: {  	s9 =	simm.s32 $0x8C00  }
0xea: {  	[tilespmem:s9], [sflag:$0x1] =	stream.indirect_vreg.gather [hbm4b:s6+s3], $0x80, v4, vm0, $0xb8;
	[tilespmem:$0x16C00] =	vst v63  }
0xeb: {  	s9 =	simm.s32 $0x9400  }
0xec: {  	[tilespmem:s9], [sflag:$0x1] =	stream.indirect_vreg.gather [hbm4b:s2+s3], $0x80, v3, vm0, $0xb8;
	[tilespmem:$0x16C00] =	vst v63  }
0xed: {  	s9 =	simm.s32 $0x9C00  }
0xee: {  	[tilespmem:s9], [sflag:$0x1] =	stream.indirect_vreg.gather [hbm4b:s5+s3], $0x80, v3, vm0, $0xb8;
	[tilespmem:$0x16C00] =	vst v63  }
0xef: {  	s9 =	simm.s32 $0xA400  }
0xf0: {  	[tilespmem:s9], [sflag:$0x1] =	stream.indirect_vreg.gather [hbm4b:s6+s3], $0x80, v3, vm0, $0xb8;
	[tilespmem:$0x16C00] =	vst v63  }
0xf1: {  	v3 =	vld.msk [tilespmem:s0+$0xFFFFFFC8], $0xff;
	_ =	sdelay $0x4  }
0xf2: {  	v63 =	vshrl.u32 v3, $0x3  }
0xf3: {  	v4 =	vmul.u32 $0x30, v63  }
0xf4: {  	v3 =	vand.u32 $0x7, v3  }
0xf5: {  	v3 =	vor.u32 v3, v4  }
0xf6: {  	v3 =	vperm.xlane v3, v0;
	_ =	sdelay $0x1  }
0xf7: {  	v3 =	vadd.s32 v1, v3;
	_ =	sdelay $0x3  }
0xf8: {  	s9 =	simm.s32 $0xAC00  }
0xf9: {  	[tilespmem:s9], [sflag:$0x1] =	stream.indirect_vreg.gather [hbm4b:s2+s3], $0x80, v3, vm0, $0xb8;
	[tilespmem:$0x16C00] =	vst v63  }
0xfa: {  	s9 =	simm.s32 $0xB400  }
0xfb: {  	[tilespmem:s9], [sflag:$0x1] =	stream.indirect_vreg.gather [hbm4b:s5+s3], $0x80, v3, vm0, $0xb8;
	[tilespmem:$0x16C00] =	vst v63  }
0xfc: {  	s9 =	simm.s32 $0xBC00  }
0xfd: {  	[tilespmem:s9], [sflag:$0x1] =	stream.indirect_vreg.gather [hbm4b:s6+s3], $0x80, v3, vm0, $0xb8;
	[tilespmem:$0x16C00] =	vst v63  }
0xfe: {  	s9 =	simm.s32 $0xCC00  }
.LBB2_4:
.Ltmp3:
0xff: {  	(pc) =	sbr.rel @p0 .LBB2_6-.Ltmp3, $4  }
0x100: {  	_ =	swait.ge [sflag:s29], $0xA800  }
0x101: {  	[sflag:s29] =	ssyncset.done $0x0  }
0x102: {  	s7 =	sadd.s32 $0x1500, s7;
	[sflag:s29] =	ssyncadd.s32 $0xFFFF5800  }
0x103: {  	[hbm4b:s7+s3] =	stream.linear.scatter [tilespmem:s1], [sflag:$0x4], $0xA800, $0x38;
	[tilespmem:$0x16C00] =	vst v63  }
0x104: {  	_ =	swait.ge [sflag:s31], $0xA800  }
0x105: {  	[sflag:s31] =	ssyncset.done $0x0  }
0x106: {  	[sflag:s31] =	ssyncadd.s32 $0xFFFF5800  }
0x107: {  	v3 =	vld [tilespmem:s0+$0xFFFFFFD0];
	_ =	sdelay $0x4  }
0x108: {  	v4 =	vshrl.u32 v3, $0x3  }
0x109: {  	v4 =	vmul.u32 $0x30, v4  }
0x10a: {  	v3 =	vand.u32 $0x7, v3  }
0x10b: {  	v3 =	vor.u32 v3, v4  }
0x10c: {  	v4 =	vperm.xlane v3, v0;
	_ =	sdelay $0x1  }
0x10d: {  	v4 =	vadd.s32 v1, v4;
	_ =	sdelay $0x3  }
0x10e: {  	v3 =	vperm.xlane v3, v2  }
0x10f: {  	[tilespmem:s1], [sflag:$0x2] =	stream.indirect_vreg.gather [hbm4b:s2+s3], $0x80, v4, vm0, $0xb8;
	[tilespmem:$0x16C00] =	vst v63  }
0x110: {  	v3 =	vadd.s32 v1, v3  }
0x111: {  	[tilespmem:s9], [sflag:$0x2] =	stream.indirect_vreg.gather [hbm4b:s5+s3], $0x80, v4, vm0, $0xb8;
	[tilespmem:$0x16C00] =	vst v63  }
0x112: {  	s7 =	simm.s32 $0xD400  }
0x113: {  	[tilespmem:s7], [sflag:$0x2] =	stream.indirect_vreg.gather [hbm4b:s6+s3], $0x80, v4, vm0, $0xb8;
	[tilespmem:$0x16C00] =	vst v63  }
0x114: {  	s7 =	simm.s32 $0xDC00  }
0x115: {  	[tilespmem:s7], [sflag:$0x2] =	stream.indirect_vreg.gather [hbm4b:s2+s3], $0x80, v3, vm0, $0xb8;
	[tilespmem:$0x16C00] =	vst v63  }
0x116: {  	s7 =	simm.s32 $0xE400  }
0x117: {  	[tilespmem:s7], [sflag:$0x2] =	stream.indirect_vreg.gather [hbm4b:s5+s3], $0x80, v3, vm0, $0xb8;
	[tilespmem:$0x16C00] =	vst v63  }
0x118: {  	_ = 	snop  }
0x119: {  	[tilespmem:s11], [sflag:$0x2] =	stream.indirect_vreg.gather [hbm4b:s6+s3], $0x80, v3, vm0, $0xb8;
	[tilespmem:$0x16C00] =	vst v63  }
0x11a: {  	v3 =	vld [tilespmem:s0+$0xFFFFFFE0];
	_ =	sdelay $0x4  }
0x11b: {  	v61 =	vshrl.u32 v3, $0x3  }
0x11c: {  	v4 =	vmul.u32 $0x30, v61  }
0x11d: {  	v3 =	vand.u32 $0x7, v3  }
0x11e: {  	v3 =	vor.u32 v3, v4  }
0x11f: {  	v4 =	vperm.xlane v3, v0;
	_ =	sdelay $0x1  }
0x120: {  	v4 =	vadd.s32 v1, v4;
	_ =	sdelay $0x3  }
0x121: {  	v3 =	vperm.xlane v3, v2  }
0x122: {  	[tilespmem:s12], [sflag:$0x2] =	stream.indirect_vreg.gather [hbm4b:s2+s3], $0x80, v4, vm0, $0xb8;
	[tilespmem:$0x16C00] =	vst v63  }
0x123: {  	v3 =	vadd.s32 v1, v3  }
0x124: {  	[tilespmem:s13], [sflag:$0x2] =	stream.indirect_vreg.gather [hbm4b:s5+s3], $0x80, v4, vm0, $0xb8;
	[tilespmem:$0x16C00] =	vst v63  }
0x125: {  	_ = 	snop  }
0x126: {  	[tilespmem:s14], [sflag:$0x2] =	stream.indirect_vreg.gather [hbm4b:s6+s3], $0x80, v4, vm0, $0xb8;
	[tilespmem:$0x16C00] =	vst v63  }
0x127: {  	_ = 	snop  }
0x128: {  	[tilespmem:s15], [sflag:$0x2] =	stream.indirect_vreg.gather [hbm4b:s2+s3], $0x80, v3, vm0, $0xb8;
	[tilespmem:$0x16C00] =	vst v63  }
0x129: {  	_ = 	snop  }
0x12a: {  	[tilespmem:s16], [sflag:$0x2] =	stream.indirect_vreg.gather [hbm4b:s5+s3], $0x80, v3, vm0, $0xb8;
	[tilespmem:$0x16C00] =	vst v63  }
0x12b: {  	_ = 	snop  }
0x12c: {  	[tilespmem:s17], [sflag:$0x2] =	stream.indirect_vreg.gather [hbm4b:s6+s3], $0x80, v3, vm0, $0xb8;
	[tilespmem:$0x16C00] =	vst v63  }
0x12d: {  	v3 =	vld [tilespmem:s0+$0xFFFFFFF0];
	_ =	sdelay $0x4  }
0x12e: {  	v62 =	vshrl.u32 v3, $0x3  }
0x12f: {  	v4 =	vmul.u32 $0x30, v62  }
0x130: {  	v3 =	vand.u32 $0x7, v3  }
0x131: {  	v3 =	vor.u32 v3, v4  }
0x132: {  	v4 =	vperm.xlane v3, v0;
	_ =	sdelay $0x1  }
0x133: {  	v4 =	vadd.s32 v1, v4;
	_ =	sdelay $0x3  }
0x134: {  	v3 =	vperm.xlane v3, v2  }
0x135: {  	[tilespmem:s18], [sflag:$0x2] =	stream.indirect_vreg.gather [hbm4b:s2+s3], $0x80, v4, vm0, $0xb8;
	[tilespmem:$0x16C00] =	vst v63  }
0x136: {  	v3 =	vadd.s32 v1, v3  }
0x137: {  	[tilespmem:s19], [sflag:$0x2] =	stream.indirect_vreg.gather [hbm4b:s5+s3], $0x80, v4, vm0, $0xb8;
	[tilespmem:$0x16C00] =	vst v63  }
0x138: {  	_ = 	snop  }
0x139: {  	[tilespmem:s20], [sflag:$0x2] =	stream.indirect_vreg.gather [hbm4b:s6+s3], $0x80, v4, vm0, $0xb8;
	[tilespmem:$0x16C00] =	vst v63  }
0x13a: {  	_ = 	snop  }
0x13b: {  	[tilespmem:s21], [sflag:$0x2] =	stream.indirect_vreg.gather [hbm4b:s2+s3], $0x80, v3, vm0, $0xb8;
	[tilespmem:$0x16C00] =	vst v63  }
0x13c: {  	_ = 	snop  }
0x13d: {  	[tilespmem:s22], [sflag:$0x2] =	stream.indirect_vreg.gather [hbm4b:s5+s3], $0x80, v3, vm0, $0xb8;
	[tilespmem:$0x16C00] =	vst v63  }
0x13e: {  	_ = 	snop  }
0x13f: {  	[tilespmem:s23], [sflag:$0x2] =	stream.indirect_vreg.gather [hbm4b:s6+s3], $0x80, v3, vm0, $0xb8;
	[tilespmem:$0x16C00] =	vst v63  }
0x140: {  	v3 =	vld.msk [tilespmem:s0+$0x0], $0xff;
	_ =	sdelay $0x4  }
0x141: {  	v63 =	vshrl.u32 v3, $0x3  }
0x142: {  	v4 =	vmul.u32 $0x30, v63  }
0x143: {  	v3 =	vand.u32 $0x7, v3  }
0x144: {  	v3 =	vor.u32 v3, v4  }
0x145: {  	v3 =	vperm.xlane v3, v0;
	_ =	sdelay $0x1  }
0x146: {  	v3 =	vadd.s32 v1, v3;
	_ =	sdelay $0x4  }
0x147: {  	[tilespmem:s24], [sflag:$0x2] =	stream.indirect_vreg.gather [hbm4b:s2+s3], $0x80, v3, vm0, $0xb8;
	[tilespmem:$0x16C00] =	vst v63  }
.Ltmp4:
0x148: {  	_ = 	snop;
	(pc) =	sbr.rel .LBB2_2-.Ltmp4, $4  }
0x149: {  	_ = 	snop  }
0x14a: {  	[tilespmem:s25], [sflag:$0x2] =	stream.indirect_vreg.gather [hbm4b:s5+s3], $0x80, v3, vm0, $0xb8;
	[tilespmem:$0x16C00] =	vst v63  }
0x14b: {  	s4 =	sadd.s32 $0x2A00, s4;
	s0 =	sadd.s32 $0x70, s0  }
0x14c: {  	[tilespmem:s26], [sflag:$0x2] =	stream.indirect_vreg.gather [hbm4b:s6+s3], $0x80, v3, vm0, $0xb8;
	[tilespmem:$0x16C00] =	vst v63  }
.LBB2_7:
0x14d: {  	_ =	sfence.sel $0x180000  }
0x14e: {  	[bflag:$0x0] =	sbarrier.arrive $0xFFFF  }
0x14f: {  	_ =	strace $0x90000047  }
0x150: {  	s0 =	stileid.u32;
	[bflag:$0x2] =	sbarrier.arrive $0xFFFF  }
0x151: {  	p0 =	sne.s32 s0, $0x0;
	s0 =	rddreg [dreg:$0x3]  }
0x152: {  	s0 =	sadd.s32 @!p0 $0x100000, s0  }
0x153: {  	[sflag:s0] =	ssyncadd.tile.s32 @!p0 $0x1;
	_ =	shalt  }
.Lfunc_end2:
_tile_overlayer_lowered:
.L_overlay_start_2:
0x154: {  	(tag) =	ssettag $0x2  }
0x155: {  	s0 =	rddreg [dreg:$0x0];
	s2 =	stileid.u32  }
0x156: {  	s1 =	rddreg [dreg:$0x1];
	p0 =	sne.s32 s2, $0x0  }
0x157: {  	s3 =	rddreg [dreg:$0x2];
	[bflag:$0x3] =	sbarrier.arrive $0xFFFF;
	s2 =	simm.s32 @!p0 $0x1C05  }
0x158: {  	[timem:s3], [sflag:s2] =	dma.local @!p0 [hbm:s0], s1  }
0x159: {  	s0 =	simm.s32 @!p0 $0x5  }
0x15a: {  	_ =	swait.ge @!p0 [sflag:s0], s1  }
0x15b: {  	s1 =	ssub.s32 @!p0 $0x0, s1;
	[sflag:s0] =	ssyncset.done @!p0 $0x0  }
0x15c: {  	[sflag:s0] =	ssyncadd.s32 @!p0 s1  }
0x15d: {  	[bflag:$0x3] =	sbarrier.arrive $0xFFFF  }
0x15e: {  	_ =	shalt  }

// kernel: sparse-core-data-format-call.cloned.1.call-start
scs
called_computation_lowered:
.L_overlay_start_0:
0x0: {  	s2 =	sld [smem:$0x3FD9]  }
0x1: {  	s3 =	sld [smem:$0x3FFE];
	_ =	sdelay $0x1  }
0x2: {  	s1 =	srdreg.scid  }
0x3: {  	s0 =	sand.u32 $0x1, s1  }
0x4: {  	s18 =	sshll.u32 s0, $0xA;
	s2 =	sadd.s32 s3, s2  }
0x5: {  	s2 =	sadd.s32 s2, s18  }
0x6: {  	[smem:$0x3FC6] =	sst s2  }
0x7: {  	_ = 	snop  }
0x8: {  	s2 =	sld [smem:$0x3FD0];
	(tm) =	ssettm $0x1  }
0x9: {  	s19 =	sld [smem:$0x3FFB];
	_ =	sdelay $0x3  }
0xa: {  	_ =	strace s19  }
0xb: {  	s3 =	sld [smem:$0x3FFC];
	_ =	sdelay $0x3  }
0xc: {  	_ =	strace s3  }
0xd: {  	s3 =	sld [smem:$0x3FFD];
	_ =	sdelay $0x3  }
0xe: {  	_ =	strace s3  }
0xf: {  	_ =	strace $0x8FFFFFFF  }
0x10: {  	s20 =	sld [smem:$0x3FDB];
	_ =	sdelay $0x1  }
0x11: {  	s4 =	simm.s32 $_scs_section_size  }
0x12: {  	s5 =	simm.s32 $_size__tile_overlayer_lowered;
	s6 =	simm.s32 $_tile_overlayer_lowered  }
0x13: {  	s23 =	simm.s32 $0x1BFF;
	s22 =	sshll.u32 s6, $0x1;
	s3 =	sadd.s32 s4, s20  }
0x14: {  	s7 =	simm.s32 $0x0;
	s21 =	sshll.u32 s5, $0x1;
	s5 =	sadd.s32 s22, s3  }
0x15: {  	[timem:s7], [sflag:s23] =	dma.local [hbm:s5], s21  }
0x16: {  	_ =	swait.ge [sflag:s23], s21  }
0x17: {  	s4 =	ssub.s32 $0x0, s21;
	[sflag:s23] =	ssyncset.done $0x0  }
0x18: {  	[sflag:s23] =	ssyncadd.s32 s4;
	_ =	sdelay $0x1  }
0x19: {  	s24 =	simm.s32 $0x1B8B  }
0x1a: {  	_ =	swait.ge [sflag:s24], $0x1  }
0x1b: {  	[sflag:s24] =	ssyncset.done $0x0  }
0x1c: {  	s26 =	simm.s32 $0x1B8E;
	s25 =	sld [smem:$0x3FFE];
	[sflag:s24] =	ssyncadd.s32 $0xFFFFFFFF  }
0x1d: {  	s27 =	simm.s32 $execute0_lowered;
	[smem:$0x3FD2] =	sst s26  }
0x1e: {  	s5 =	sshll.u32 s27, $0x1;
	_ =	strace $0x80000049;
	[dreg:$0x1] =	wrdreg $0xFFFFFFFF  }
0x1f: {  	s28 =	simm.s32 $_size_execute0_lowered;
	s3 =	sadd.s32 s3, s5;
	[dreg:$0x0] =	wrdreg $0x0  }
0x20: {  	s5 =	sshll.u32 s28, $0x1;
	[dreg:$0x2] =	wrdreg s3  }
0x21: {  	[dreg:$0x3] =	wrdreg s5  }
0x22: {  	[dreg:$0x4] =	wrdreg $0xC0  }
0x23: {  	_ =	task [dreg:s7], $0x5FFFF  }
0x24: {  	[dreg:$0x1] =	wrdreg $0xFFFFFFFF  }
0x25: {  	[dreg:$0x0] =	wrdreg $0x60  }
0x26: {  	[dreg:$0x2] =	wrdreg s25  }
0x27: {  	[dreg:$0x3] =	wrdreg s2  }
0x28: {  	[dreg:$0x4] =	wrdreg $0x9  }
0x29: {  	_ =	task.clear_ibuf [dreg:s7], $0x5FFFF;
	_ =	strace $0x90000049  }
0x2a: {  	s29 =	simm.s32 $0x9;
	_ =	strace $0x8000004B  }
0x2b: {  	_ =	swait.ge [sflag:s29], $0x1  }
0x2c: {  	[sflag:s29] =	ssyncadd.s32 $0xFFFFFFFF  }
0x2d: {  	_ =	strace $0x9000004B  }
0x2e: {  	_ =	sfence  }
0x2f: {  	s30 =	sld [smem:$0x0];
	_ =	sdelay $0x2  }
0x30: {  	s31 =	sshll.u32 s1, $0xD;
	s1 =	sshrl.u32 s1, $0x2  }
0x31: {  	s3 =	sand.u32 $0x4000, s31;
	s1 =	sadd.s32 s1, s30  }
0x32: {  	s0 =	sor.u32 s3, s0;
	s1 =	sshll.u32 s1, $0x11  }
0x33: {  	s0 =	sor.u32 s1, s0  }
0x34: {  	s0 =	sadd.s32 $0x8F2B, s0  }
0x35: {  	[sflag:s0] =	ssyncadd.remote.s32 $0x1  }
0x36: {  	_ =	sfence.sel $0xFFFF  }
0x37: {  	[dreg:$0x0] =	wrdreg $0xFFFFFFFF;
	(pc) =	sbr.abs _section_cstart, $3  }
0x38: {  	[dreg:$0x1] =	wrdreg $0xFFFFFFFF  }
0x39: {  	_ =	task.clear_ibuf [dreg:s7], $0x2FFFF;
	_ =	strace $0x9FFFFFFF  }
0x3a: {  	(tm) =	ssettm $0x7FFFFFFF  }
0x3b: {  	_ =	shalt  }
tec
execute0_lowered:
.L_overlay_start_1:
0x0: {  	(tag) =	ssettag $0x1  }
0x1: {  	s0 =	srdreg.scid  }
0x2: {  	s1 =	sshll.u32 s0, $0x4  }
0x3: {  	s6 =	rddreg [dreg:$0x0];
	s0 =	stileid.u32;
	s1 =	sand.u32 $0x10, s1  }
0x4: {  	s3 =	rddreg [dreg:$0x1];
	s1 =	sor.u32 s0, s1  }
0x5: {  	s5 =	simm.s32 $0x1;
	s31 =	simm.s32 $0x2;
	s2 =	sshll.u32 s1, $0x7  }
0x6: {  	s15 =	simm.s32 $0x0;
	s8 =	simm.s32 $0x1800;
	s4 =	ssub.s32 $0x1000, s2  }
0x7: {  	s9 =	simm.s32 $0x0;
	s14 =	simm.s32 $0x0;
	s30 =	sand.u32 $0xF80, s4  }
0x8: {  	s16 =	simm.s32 $0x0;
	s10 =	simm.s32 $0x0;
	p0 =	sne.s32 s30, $0x0  }
.Ltmp0:
0x9: {  	s7 =	sshrl.u32 s4, $0xC;
	s5 =	simm.s32 @!p0 $0x0;
	(pc) =	sbr.rel .LBB1_1-.Ltmp0, $4  }
0xa: {  	s11 =	simm.s32 $0x0;
	s1 =	rddreg [dreg:$0x2];
	s5 =	sadd.s32 s5, s7  }
0xb: {  	_ =	strace $0x8000004A;
	s4 =	simm.s32 $0x1;
	s5 =	smul.u32 $0x12C, s5  }
0xc: {  	s13 =	simm.s32 $0x0;
	s6 =	sadd.s32 $0x800, s6;
	[sflag:s4] =	ssyncpa.u1 $0x0  }
0xd: {  	s12 =	smov.u32 s2;
	[sflag:s31] =	ssyncpa.u1 $0x0;
	s7 =	sor.u32 $0x1, s5  }
.LBB1_4:
0xe: {  	_ =	sdelay $0x2  }
0xf: {  	s20 =	sshrl.u32 s16, $0x3  }
0x10: {  	[tilespmem:v0+s19+$0xFFFFFFD0 ss:$0x1] =	vst.idx.msk $0xffff, v7;
	s21 =	sshll.u32 s15, $0x3;
	s20 =	smul.u32 $0x1800, s20  }
0x11: {  	v56 =	vld.idx.msk [tilespmem:v1+s18+$0x0 ss:$0x1], $0xffff;
	[tilespmem:v0+s19+$0xFFFFFFE0 ss:$0x1] =	vst.idx.msk $0xffff, v5;
	s27 =	sshll.u32 s16, $0x7;
	s21 =	sand.u32 $0xFFFFFC00, s21  }
0x12: {  	v57 =	vld.idx.msk [tilespmem:v1+s18+$0xFFFFFF90 ss:$0x1], $0xffff;
	[tilespmem:v0+s19+$0xFFFFFFF0 ss:$0x1] =	vst.idx.msk $0xffff, v4;
	s16 =	sand.u32 $0x380, s27;
	s20 =	sadd.s32 s20, s21  }
0x13: {  	v58 =	vld.idx.msk [tilespmem:v1+s18+$0xFFFFFFA0 ss:$0x1], $0xffff;
	[tilespmem:v0+s19+$0x0 ss:$0x1] =	vst.idx.msk $0xffff, v2;
	s28 =	sand.u32 $0x7F, s15;
	s16 =	sor.u32 s16, s20  }
0x14: {  	v59 =	vld.idx.msk [tilespmem:v1+s18+$0xFFFFFFB0 ss:$0x1], $0xffff;
	[tilespmem:v0+s19+$0x10 ss:$0x1] =	vst.idx.msk $0xffff, v3;
	s15 =	sor.u32 s28, s16  }
0x15: {  	v60 =	vld.idx.msk [tilespmem:v1+s18+$0xFFFFFFC0 ss:$0x1], $0xffff;
	[tilespmem:v0+s19+$0x20 ss:$0x1] =	vst.idx.msk $0xffff, v6;
	s29 =	smulhi.u32 $0xAAAAAAAB, s15  }
0x16: {  	v61 =	vld.idx.msk [tilespmem:v1+s18+$0xFFFFFFD0 ss:$0x1], $0xffff;
	[tilespmem:v0+s18+$0x30 ss:$0x1] =	vst.idx.msk $0xffff, v56;
	s16 =	smulhi.u32 $0xAAAAAAAB, s16  }
0x17: {  	v62 =	vld.idx.msk [tilespmem:v1+s18+$0xFFFFFFE0 ss:$0x1], $0xffff;
	[tilespmem:v0+s18+$0xFFFFFFC0 ss:$0x1] =	vst.idx.msk $0xffff, v57;
	s19 =	sshrl.u32 s29, $0x9  }
0x18: {  	v63 =	vld.idx.msk [tilespmem:v1+s18+$0xFFFFFFF0 ss:$0x1], $0xffff;
	[tilespmem:v0+s18+$0xFFFFFFD0 ss:$0x1] =	vst.idx.msk $0xffff, v58;
	s16 =	sshrl.u32 s16, $0x9;
	s19 =	smul.u32 $0x300, s19  }
0x19: {  	s14 =	smul.u32 $0x60000, s14;
	[tilespmem:v0+s18+$0xFFFFFFE0 ss:$0x1] =	vst.idx.msk $0xffff, v59;
	s16 =	sand.u32 $0xFFF, s16  }
0x1a: {  	[tilespmem:v0+s18+$0xFFFFFFF0 ss:$0x1] =	vst.idx.msk $0xffff, v60;
	s16 =	smul.u32 $0x60, s16;
	s15 =	ssub.s32 s15, s19  }
0x1b: {  	s14 =	sadd.s32 s3, s14;
	[tilespmem:v0+s18+$0x0 ss:$0x1] =	vst.idx.msk $0xffff, v61;
	s19 =	sand.u32 $0x7, s15  }
0x1c: {  	[tilespmem:v0+s18+$0x10 ss:$0x1] =	vst.idx.msk $0xffff, v62;
	s14 =	sadd.s32 s16, s14;
	s15 =	sshrl.u32 s15, $0x3;
	s30 =	sshll.u32 s19, $0x12  }
0x1d: {  	[tilespmem:v0+s18+$0x20 ss:$0x1] =	vst.idx.msk $0xffff, v63;
	s14 =	sadd.s32 s15, s14;
	s31 =	sor.u32 $0x400, s30  }
0x1e: {  	[hbm4b:s14+s31] =	stream.strided.scatter [tilespmem:s17], [sflag:$0x2], $0x4000, s8, s31, $0x38;
	[tilespmem:$0x10000] =	vst v63  }
.LBB1_5:
0x1f: {  	s17 =	sadd.s32 $0x80, s10  }
0x20: {  	s14 =	simm.s32 $0x1;
	p1 =	sgt.s32 s17, $0x2FF  }
0x21: {  	s14 =	simm.s32 @!p1 $0x0  }
0x22: {  	s18 =	sadd.s32 s14, s11  }
0x23: {  	s20 =	smov.u32 s12;
	s14 =	sadd.s32 $0x1000, s12;
	p2 =	sgt.s32 s18, $0x31  }
0x24: {  	s20 =	smov.u32 @p2 s14  }
0x25: {  	s17 =	simm.s32 @p1 $0x0;
	p1 =	sgt.s32 s20, $0xFFF  }
0x26: {  	p0 =	slt.u32 s13, $0x2;
	s20 =	smov.u32 @p1 s2;
	p1 =	sne.s32 s13, s7  }
.Ltmp1:
0x27: {  	s19 =	simm.s32 @!p0 $0x2;
	(pc) =	sbr.rel @!p1 .LBB1_6-.Ltmp1, $4  }
0x28: {  	s15 =	smov.u32 s10;
	s16 =	smov.u32 s12;
	_ =	swait.ge @!p0 [sflag:s19], $0x4000  }
0x29: {  	s9 =	sadd.s32 $0x4000, s9;
	[sflag:s19] =	ssyncset.done @!p0 $0x0;
	s10 =	smov.u32 s17  }
0x2a: {  	[sflag:s19] =	ssyncadd.s32 @!p0 $0xFFFFC000;
	s18 =	simm.s32 @p2 $0x0;
	s14 =	smov.u32 s11  }
0x2b: {  	s11 =	smov.u32 s18;
	s13 =	sadd.s32 $0x1, s13;
	s12 =	smov.u32 s20  }
.LBB1_1:
0x2c: {  	p0 =	sge.u32 s13, s5  }
0x2d: {  	s17 =	sshrl.u32 @!p0 s11, $0x3  }
0x2e: {  	s18 =	sshll.u32 @!p0 s10, $0x3;
	s17 =	smul.u32 @!p0 $0x1800, s17  }
0x2f: {  	s19 =	sshll.u32 @!p0 s11, $0x7;
	s18 =	sand.u32 @!p0 $0xFFFFFC00, s18  }
0x30: {  	s17 =	sadd.s32 @!p0 s17, s18;
	s18 =	sand.u32 @!p0 $0x380, s19  }
0x31: {  	s17 =	sor.u32 @!p0 s18, s17  }
0x32: {  	s18 =	sand.u32 @!p0 $0x7F, s10;
	s19 =	smulhi.u32 @!p0 $0xAAAAAAAB, s17  }
0x33: {  	s17 =	sor.u32 @!p0 s18, s17  }
0x34: {  	s18 =	smulhi.u32 @!p0 $0xAAAAAAAB, s17;
	s19 =	sshrl.u32 @!p0 s19, $0x9  }
0x35: {  	s20 =	smulhi.u32 @!p0 $0x4924925, s19;
	_ =	sdelay $0x1  }
0x36: {  	s18 =	sshrl.u32 @!p0 s18, $0x9;
	s20 =	smul.u32 @!p0 $0x38, s20  }
0x37: {  	s31 =	sadd.s32 $0xFFFFFFFF, s13;
	s18 =	smul.u32 @!p0 $0x300, s18  }
0x38: {  	s21 =	sxor.u32 @!p0 $0xFFFFFFFF, s13;
	s19 =	ssub.s32 @!p0 s19, s20;
	s20 =	smul.u32 @!p0 $0x1500, s12  }
0x39: {  	s21 =	sshll.u32 @!p0 s21, $0xE;
	s17 =	ssub.s32 @!p0 s17, s18;
	s18 =	smul.u32 @!p0 $0x60, s19  }
0x3a: {  	s19 =	sand.u32 @!p0 $0x4000, s21;
	s21 =	sand.u32 @!p0 $0x7, s17;
	s20 =	sadd.s32 @!p0 s6, s20  }
0x3b: {  	s17 =	sshrl.u32 @!p0 s17, $0x3;
	s18 =	sadd.s32 @!p0 s18, s20;
	s20 =	sshll.u32 @!p0 s21, $0x12  }
0x3c: {  	s17 =	sadd.s32 @!p0 s17, s18;
	s18 =	sor.u32 @!p0 $0x80, s20;
	s20 =	simm.s32 @!p0 $0xA800  }
0x3d: {  	[tilespmem:s19], [sflag:$0x1] =	stream.strided.gather @!p0 [hbm4b:s17+s18], $0x4000, s20, s18, $0x38;
	[tilespmem:$0x10000] =	vst v63  }
0x3e: {  	p0 =	sge.u32 s31, s5  }
.Ltmp2:
0x3f: {  	_ = 	snop;
	(pc) =	sbr.rel @p0 .LBB1_5-.Ltmp2, $1  }
0x40: {  	_ =	sdelay $0x3  }
0x41: {  	s17 =	sand.u32 $0x4000, s9  }
0x42: {  	s18 =	sor.u32 $0x70, s17  }
0x43: {  	v1 =	vmov s18;
	_ =	sdelay $0x1  }
0x44: {  	_ =	swait.ge [sflag:s4], $0x4000  }
0x45: {  	[sflag:s4] =	ssyncset.done $0x0  }
0x46: {  	s19 =	simm.s32 $0x0;
	[sflag:s4] =	ssyncadd.s32 $0xFFFFC000  }
0x47: {  	s17 =	sor.u32 $0x8040, s17;
	v6 =	vld.idx.msk [tilespmem:v1+s19+$0x0 ss:$0x1], $0xffff  }
0x48: {  	v0 =	vmov s17;
	v8 =	vld.idx.msk [tilespmem:v1+s19+$0xFFFFFF90 ss:$0x1], $0xffff  }
0x49: {  	v7 =	vld.idx.msk [tilespmem:v1+s19+$0xFFFFFFA0 ss:$0x1], $0xffff  }
0x4a: {  	v5 =	vld.idx.msk [tilespmem:v1+s19+$0xFFFFFFB0 ss:$0x1], $0xffff  }
0x4b: {  	v4 =	vld.idx.msk [tilespmem:v1+s19+$0xFFFFFFC0 ss:$0x1], $0xffff  }
0x4c: {  	s31 =	sshll.u32 s13, $0xE;
	v2 =	vld.idx.msk [tilespmem:v1+s19+$0xFFFFFFD0 ss:$0x1], $0xffff  }
0x4d: {  	s17 =	sand.u32 $0x4000, s31;
	v3 =	vld.idx.msk [tilespmem:v1+s19+$0xFFFFFFE0 ss:$0x1], $0xffff;
	[tilespmem:v0+s19+$0x30 ss:$0x1] =	vst.idx.msk $0xffff, v6  }
0x4e: {  	s20 =	simm.s32 $0x400;
	s18 =	simm.s32 $0x80;
	s17 =	sor.u32 $0x8000, s17;
	[tilespmem:v0+s19+$0xFFFFFFC0 ss:$0x1] =	vst.idx.msk $0xffff, v8;
	v6 =	vld.idx.msk [tilespmem:v1+s19+$0xFFFFFFF0 ss:$0x1], $0xffff  }
.LBB1_3:
0x4f: {  	p0 =	sne.s32 s20, $0xFE00;
	v8 =	vld.idx.msk [tilespmem:v1+s18+$0x0 ss:$0x1], $0xffff;
	[tilespmem:v0+s19+$0xFFFFFFD0 ss:$0x1] =	vst.idx.msk $0xffff, v7  }
0x50: {  	v9 =	vld.idx.msk [tilespmem:v1+s18+$0xFFFFFF90 ss:$0x1], $0xffff;
	[tilespmem:v0+s19+$0xFFFFFFE0 ss:$0x1] =	vst.idx.msk $0xffff, v5  }
0x51: {  	v7 =	vld.idx.msk [tilespmem:v1+s18+$0xFFFFFFA0 ss:$0x1], $0xffff;
	[tilespmem:v0+s19+$0xFFFFFFF0 ss:$0x1] =	vst.idx.msk $0xffff, v4  }
.Ltmp3:
0x52: {  	v5 =	vld.idx.msk [tilespmem:v1+s18+$0xFFFFFFB0 ss:$0x1], $0xffff;
	[tilespmem:v0+s19+$0x0 ss:$0x1] =	vst.idx.msk $0xffff, v2;
	(pc) =	sbr.rel @p0 .LBB1_3-.Ltmp3, $4  }
0x53: {  	v4 =	vld.idx.msk [tilespmem:v1+s18+$0xFFFFFFC0 ss:$0x1], $0xffff;
	[tilespmem:v0+s19+$0x10 ss:$0x1] =	vst.idx.msk $0xffff, v3  }
0x54: {  	v2 =	vld.idx.msk [tilespmem:v1+s18+$0xFFFFFFD0 ss:$0x1], $0xffff;
	[tilespmem:v0+s19+$0x20 ss:$0x1] =	vst.idx.msk $0xffff, v6;
	s19 =	smov.u32 s18  }
0x55: {  	v3 =	vld.idx.msk [tilespmem:v1+s19+$0xFFFFFFE0 ss:$0x1], $0xffff;
	[tilespmem:v0+s19+$0x30 ss:$0x1] =	vst.idx.msk $0xffff, v8  }
0x56: {  	s18 =	sshra.s32 s20, $0x2;
	s20 =	sadd.s32 $0x200, s20;
	[tilespmem:v0+s19+$0xFFFFFFC0 ss:$0x1] =	vst.idx.msk $0xffff, v9;
	v6 =	vld.idx.msk [tilespmem:v1+s19+$0xFFFFFFF0 ss:$0x1], $0xffff  }
.Ltmp4:
0x57: {  	_ = 	snop;
	(pc) =	sbr.rel .LBB1_4-.Ltmp4, $1  }
0x58: {  	_ =	sdelay $0x3  }
.LBB1_6:
0x59: {  	_ =	sfence.sel $0x180000  }
0x5a: {  	s2 =	simm.s32 $0x1;
	[bflag:$0x0] =	sbarrier.arrive $0xFFFF  }
0x5b: {  	s31 =	simm.s32 $0x2;
	[sflag:s2] =	ssyncpa.u1 $0x1  }
0x5c: {  	[sflag:s31] =	ssyncpa.u1 $0x1  }
0x5d: {  	p0 =	sne.s32 s0, $0x0;
	_ =	strace $0x9000004A  }
0x5e: {  	s0 =	sadd.s32 @!p0 $0x100000, s1;
	[bflag:$0x2] =	sbarrier.arrive $0xFFFF  }
0x5f: {  	[sflag:s0] =	ssyncadd.tile.s32 @!p0 $0x1;
	_ =	shalt  }
.Lfunc_end1:
_tile_overlayer_lowered:
.L_overlay_start_2:
0x60: {  	(tag) =	ssettag $0x2  }
0x61: {  	s0 =	rddreg [dreg:$0x0];
	s2 =	stileid.u32  }
0x62: {  	s1 =	rddreg [dreg:$0x1];
	p0 =	sne.s32 s2, $0x0  }
0x63: {  	s3 =	rddreg [dreg:$0x2];
	[bflag:$0x3] =	sbarrier.arrive $0xFFFF;
	s2 =	simm.s32 @!p0 $0x1C01  }
0x64: {  	[timem:s3], [sflag:s2] =	dma.local @!p0 [hbm:s0], s1  }
0x65: {  	s0 =	simm.s32 @!p0 $0x1  }
0x66: {  	_ =	swait.ge @!p0 [sflag:s0], s1  }
0x67: {  	s1 =	ssub.s32 @!p0 $0x0, s1;
	[sflag:s0] =	ssyncset.done @!p0 $0x0  }
0x68: {  	[sflag:s0] =	ssyncadd.s32 @!p0 s1  }
0x69: {  	[bflag:$0x3] =	sbarrier.arrive $0xFFFF  }
0x6a: {  	_ =	shalt  }

</sc_bundles>
